<compile_context>
chip_gen: v7x
topology: tpu7x:2x2x1
jax: 0.10.2.dev20260603
libtpu: 0.0.44.dev20260713+nightly
codegen_flags: <defaults>
</compile_context>

<pallas_src>
import functools

import jax
import jax.numpy as jnp
from jax import lax
from jax.experimental import pallas as pl
from jax.experimental.pallas import tpu as pltpu
from jax.experimental.pallas import tpu_sc as plsc

NUM_BEV = 64
NX, NY, NZ = 432, 496, 1
M = 40000
NCELL = NZ * NX * NY
MPAD = 40960
PAD_SLOT = M
TBL_W = 40016

NC = 2
NS = 16
L = 16
NTILES = NC * NS
CH_PER_TILE = NUM_BEV // NTILES
CELLS_PER_SUB = NCELL // NS
IDX_CHUNK = 2560
FILL_Q = 4464
ROWS_B = 8
NCHUNK_B = NX // ROWS_B
INV_CHUNK = ROWS_B * NY
NYV = NY // L


def _sc_body(pt_hbm, idx_hbm, out_hbm,
             tbl0, tbl1, irdbuf,
             idx0, idx1, fbuf, ob0a, ob0b, ob1a, ob1b,
             spinv,
             sem_t0, sem_t1, sem_ix0, sem_ix1,
             sem_inv0, sem_inv1, sem_o0a, sem_o0b, sem_o1a, sem_o1b):
    core = lax.axis_index("c")
    sub = lax.axis_index("s")
    wid = core * NS + sub
    c0 = wid * CH_PER_TILE

    pltpu.make_async_copy(pt_hbm.at[pl.ds(c0 * MPAD, TBL_W)], tbl0,
                          sem_t0).start()
    pltpu.make_async_copy(pt_hbm.at[pl.ds((c0 + 1) * MPAD, TBL_W)], tbl1,
                          sem_t1).start()

    cell_base = sub * CELLS_PER_SUB
    iota = lax.iota(jnp.int32, L)
    fill = jnp.full((L,), PAD_SLOT, jnp.int32)

    @plsc.parallel_loop(0, FILL_Q // L, 1, unroll=8)
    def fill_step(i):
        fbuf[pl.ds(i * L, L)] = fill

    idx_cp = pltpu.make_async_copy(
        idx_hbm.at[pl.ds(sub * IDX_CHUNK, IDX_CHUNK)], idx0, sem_ix0)
    idx_cp.start()

    val_base = sub * IDX_CHUNK

    @plsc.parallel_loop(0, IDX_CHUNK // L, 1, unroll=8)
    def val_step(k):
        idx1[pl.ds(k * L, L)] = iota + (val_base + k * L)

    for q in range(3):
        pltpu.sync_copy(fbuf, spinv.at[pl.ds(cell_base + q * FILL_Q, FILL_Q)])
    idx_cp.wait()
    plsc.subcore_barrier()
    pltpu.sync_copy(idx1, spinv.at[idx0])
    plsc.subcore_barrier()

    pltpu.make_async_copy(pt_hbm.at[pl.ds(c0 * MPAD, TBL_W)], tbl0,
                          sem_t0).wait()
    pltpu.make_async_copy(pt_hbm.at[pl.ds((c0 + 1) * MPAD, TBL_W)], tbl1,
                          sem_t1).wait()
    zpad = jnp.zeros((L,), jnp.float32)
    tbl0[pl.ds(PAD_SLOT, L)] = zpad
    tbl1[pl.ds(PAD_SLOT, L)] = zpad

    invsems = (sem_inv0, sem_inv1)
    obufs = ((ob0a, ob1a), (ob0b, ob1b))
    osems = ((sem_o0a, sem_o1a), (sem_o0b, sem_o1b))

    def inv_dma(c, s):
        return pltpu.make_async_copy(
            spinv.at[pl.ds(c * INV_CHUNK, INV_CHUNK)],
            irdbuf.at[pl.ds(s * INV_CHUNK, INV_CHUNK)], invsems[s])

    def out_dma(ch, c, s):
        return pltpu.make_async_copy(
            obufs[s][ch],
            out_hbm.at[0, c0 + ch, pl.ds(c * ROWS_B, ROWS_B), :],
            osems[s][ch])

    def gather_slot(c, s, drain):
        inv_dma(c, s).wait()

        @pl.when(drain)
        def _():
            out_dma(0, 0, s).wait()
            out_dma(1, 0, s).wait()

        o0, o1 = obufs[s]

        @plsc.parallel_loop(0, NYV, 1, unroll=2)
        def g_step(u):
            for r in range(ROWS_B):
                src = pl.ds(s * INV_CHUNK + r * NY + u * L, L)
                iv = irdbuf[src]
                o0[r, pl.ds(u * L, L)] = plsc.load_gather(tbl0, [iv])
                o1[r, pl.ds(u * L, L)] = plsc.load_gather(tbl1, [iv])
        out_dma(0, c, s).start()
        out_dma(1, c, s).start()

    inv_dma(0, 0).start()

    def gather_pair(p, carry):
        c = p * 2
        inv_dma(c + 1, 1).start()
        gather_slot(c, 0, p > 0)

        @pl.when(c + 2 < NCHUNK_B)
        def _():
            inv_dma(c + 2, 0).start()

        gather_slot(c + 1, 1, p > 0)
        return carry

    lax.fori_loop(0, NCHUNK_B // 2, gather_pair, 0)
    out_dma(0, 0, 0).wait()
    out_dma(1, 0, 0).wait()
    out_dma(0, 0, 1).wait()
    out_dma(1, 0, 1).wait()


@functools.partial(
    pl.kernel,
    mesh=plsc.VectorSubcoreMesh(core_axis_name="c", subcore_axis_name="s",
                                num_cores=NC, num_subcores=NS),
    out_type=jax.ShapeDtypeStruct((1, NUM_BEV, NX, NY), jnp.float32),
    compiler_params=pltpu.CompilerParams(needs_layout_passes=False),
    scratch_types=[
        pltpu.VMEM((TBL_W,), jnp.float32),
        pltpu.VMEM((TBL_W,), jnp.float32),
        pltpu.VMEM((2 * INV_CHUNK,), jnp.int32),
        pltpu.VMEM((IDX_CHUNK,), jnp.int32),
        pltpu.VMEM((IDX_CHUNK,), jnp.int32),
        pltpu.VMEM((FILL_Q,), jnp.int32),
        pltpu.VMEM((ROWS_B, NY), jnp.float32),
        pltpu.VMEM((ROWS_B, NY), jnp.float32),
        pltpu.VMEM((ROWS_B, NY), jnp.float32),
        pltpu.VMEM((ROWS_B, NY), jnp.float32),
        pltpu.VMEM_SHARED((NCELL + 8,), jnp.int32),
        pltpu.SemaphoreType.DMA,
        pltpu.SemaphoreType.DMA,
        pltpu.SemaphoreType.DMA,
        pltpu.SemaphoreType.DMA,
        pltpu.SemaphoreType.DMA,
        pltpu.SemaphoreType.DMA,
        pltpu.SemaphoreType.DMA,
        pltpu.SemaphoreType.DMA,
        pltpu.SemaphoreType.DMA,
        pltpu.SemaphoreType.DMA,
    ],
)
def _sc_scatter(pt_hbm, idx_hbm, out_hbm, *rest):
    _sc_body(pt_hbm, idx_hbm, out_hbm, *rest)


@jax.jit
def kernel(pillar_features, coords):
    coords = coords.astype(jnp.int32)
    zyx_ok = (coords[:, 0] == 0) & (coords[:, 1] == 0)
    idx_t = coords[:, 3] * NY + coords[:, 2]
    idx_t = jnp.where(zyx_ok, idx_t, jnp.int32(-1))
    idx_t = jnp.where((idx_t >= 0) & (idx_t < NCELL), idx_t,
                      jnp.int32(NCELL))
    idx_pad = jnp.full((MPAD,), jnp.int32(NCELL)).at[:M].set(idx_t)
    ptt = jnp.zeros((NUM_BEV, MPAD), jnp.float32)
    ptt = lax.dynamic_update_slice(ptt, pillar_features.T, (0, 0))
    pt = ptt.reshape(-1)
    out_t = _sc_scatter(pt, idx_pad)
    return jnp.swapaxes(out_t, 2, 3)

# --- scband reference (transcript-rebuilt; emitter-appended) ---
"""Pipeline reference for scband-point-pillar-scatter-64046552318217 (READ-ONLY COPY).

The authoritative reference and input builder live on the scoring server;
editing this copy changes nothing except your own understanding.
"""

import jax, jax.numpy as jnp
import numpy as np

NUM_BEV = 64
NX, NY, NZ = 432, 496, 1
M = 40000

def setup_inputs(seed: int = 0) -> dict:
    key = jax.random.key(seed)
    k1, _ = jax.random.split(key)
    pillar_features = jax.random.normal(k1, (M, NUM_BEV), dtype=jnp.float32)
    # coords: (batch_index, z, y, x). batch_index=0 for all rows (batch_size=1), z=0 (nz==1).
    # Use unique linearized cells so scatter-overwrite is order-independent/deterministic.
    rng = np.random.default_rng(0)
    lin = rng.permutation(NX * NY)[:M]
    y = lin // NX
    x = lin % NX
    coords_np = np.stack([np.zeros(M, dtype=np.int64),
                          np.zeros(M, dtype=np.int64),
                          y.astype(np.int64),
                          x.astype(np.int64)], axis=1)
    coords = jnp.asarray(coords_np)
    return {"pillar_features": pillar_features, "coords": coords}

def reference(pillar_features, coords):
    # Faithful translation of PointPillarScatter.forward (batch_size = 1)
    spatial_feature = jnp.zeros((NUM_BEV, NZ * NX * NY), dtype=pillar_features.dtype)
    batch_mask = coords[:, 0] == 0
    indices = coords[:, 1] + coords[:, 2] * NX + coords[:, 3]
    indices = indices.astype(jnp.int32)
    indices = jnp.where(batch_mask, indices, jnp.int32(-1))
    pillars = pillar_features.T
    spatial_feature = spatial_feature.at[:, indices].set(pillars, mode="drop")
    spatial_feature = spatial_feature.reshape(1, NUM_BEV * NZ, NY, NX)
    return spatial_feature

if __name__ == "__main__":
    import jax
    _d = setup_inputs()
    print(jax.jit(kernel)(*tuple(_d.values())))

</pallas_src>

<mosaic_0001>
#map = affine_map<(d0, d1) -> (0)>
#map1 = affine_map<(d0, d1) -> (0, 0, 0, 0)>
module attributes {stable_mosaic.version = 14 : i64} {
  func.func @_sc_scatter(%arg0: i32, %arg1: i32, %arg2: memref<2621440xf32, #tpu.memory_space<hbm>>, %arg3: memref<40960xi32, #tpu.memory_space<hbm>>, %arg4: memref<1x64x432x496xf32, #tpu.memory_space<hbm>>, %arg5: memref<40016xf32, #tpu.memory_space<vmem>>, %arg6: memref<40016xf32, #tpu.memory_space<vmem>>, %arg7: memref<7936xi32, #tpu.memory_space<vmem>>, %arg8: memref<2560xi32, #tpu.memory_space<vmem>>, %arg9: memref<2560xi32, #tpu.memory_space<vmem>>, %arg10: memref<4464xi32, #tpu.memory_space<vmem>>, %arg11: memref<8x496xf32, #tpu.memory_space<vmem>>, %arg12: memref<8x496xf32, #tpu.memory_space<vmem>>, %arg13: memref<8x496xf32, #tpu.memory_space<vmem>>, %arg14: memref<8x496xf32, #tpu.memory_space<vmem>>, %arg15: memref<214280xi32, #tpu.memory_space<vmem_shared>>, %arg16: memref<!tpu.dma_semaphore, #tpu.memory_space<semaphore_mem>>, %arg17: memref<!tpu.dma_semaphore, #tpu.memory_space<semaphore_mem>>, %arg18: memref<!tpu.dma_semaphore, #tpu.memory_space<semaphore_mem>>, %arg19: memref<!tpu.dma_semaphore, #tpu.memory_space<semaphore_mem>>, %arg20: memref<!tpu.dma_semaphore, #tpu.memory_space<semaphore_mem>>, %arg21: memref<!tpu.dma_semaphore, #tpu.memory_space<semaphore_mem>>, %arg22: memref<!tpu.dma_semaphore, #tpu.memory_space<semaphore_mem>>, %arg23: memref<!tpu.dma_semaphore, #tpu.memory_space<semaphore_mem>>, %arg24: memref<!tpu.dma_semaphore, #tpu.memory_space<semaphore_mem>>, %arg25: memref<!tpu.dma_semaphore, #tpu.memory_space<semaphore_mem>>) attributes {dimension_semantics = [#tpu.dimension_semantics<core_parallel>, #tpu.dimension_semantics<subcore_parallel>], iteration_bounds = array<i64: 2, 16>, scalar_prefetch = 0 : i64, scratch_operands = 21 : i64, tpu.core_type = #tpu.core_type<sc_vector_subcore>, window_params = [{transform_indices = #map}, {transform_indices = #map}, {transform_indices = #map1}]} {
    %mul3A = arith.constant 16 : i32
    %mul3A_0 = arith.muli %arg0, %mul3A : i32
    %add3A = arith.addi %mul3A_0, %arg1 : i32
    %mul3A_1 = arith.constant 2 : i32
    %mul3A_2 = arith.muli %add3A, %mul3A_1 : i32
    %mul3A_3 = arith.constant 40960 : i32
    %mul3A_4 = arith.muli %mul3A_2, %mul3A_3 : i32
    %dma_start3A = tpu.memref_slice %arg2[%mul3A_4] : memref<2621440xf32, #tpu.memory_space<hbm>> -> memref<40016xf32, #tpu.memory_space<hbm>>
    %dma_start3A_5 = tpu.memref_slice %arg2[%mul3A_4] : memref<2621440xf32, #tpu.memory_space<hbm>> -> memref<40016xf32, #tpu.memory_space<hbm>>
    tpu.enqueue_dma source(%dma_start3A_5 : memref<40016xf32, #tpu.memory_space<hbm>>) target(%arg5 : memref<40016xf32, #tpu.memory_space<vmem>>) target_semaphore(%arg16 : memref<!tpu.dma_semaphore, #tpu.memory_space<semaphore_mem>>)
    %add3A_6 = arith.constant 1 : i32
    %add3A_7 = arith.addi %mul3A_2, %add3A_6 : i32
    %mul3A_8 = arith.constant 40960 : i32
    %mul3A_9 = arith.muli %add3A_7, %mul3A_8 : i32
    %dma_start3A_10 = tpu.memref_slice %arg2[%mul3A_9] : memref<2621440xf32, #tpu.memory_space<hbm>> -> memref<40016xf32, #tpu.memory_space<hbm>>
    %dma_start3A_11 = tpu.memref_slice %arg2[%mul3A_9] : memref<2621440xf32, #tpu.memory_space<hbm>> -> memref<40016xf32, #tpu.memory_space<hbm>>
    tpu.enqueue_dma source(%dma_start3A_11 : memref<40016xf32, #tpu.memory_space<hbm>>) target(%arg6 : memref<40016xf32, #tpu.memory_space<vmem>>) target_semaphore(%arg17 : memref<!tpu.dma_semaphore, #tpu.memory_space<semaphore_mem>>)
    %mul3A_12 = arith.constant 13392 : i32
    %mul3A_13 = arith.muli %arg1, %mul3A_12 : i32
    %iota3A = tpu.iota {dimensions = array<i32: 0>} : vector<16xi32>
    %broadcast_in_dim3A = arith.constant 40000 : i32
    %broadcast_in_dim3A_14 = vector.broadcast %broadcast_in_dim3A : i32 to vector<16xi32>
    %parallel_loop3A = arith.constant 0 : i32
    %parallel_loop3A_15 = arith.constant 279 : i32
    %parallel_loop3A_16 = arith.constant 1 : i32
    scf.for %parallel_loop3A_106 = %parallel_loop3A to %parallel_loop3A_15 step %parallel_loop3A_16  : i32 {
      %parallel_loop3A_107 = arith.constant 16 : i32
      %parallel_loop3A_108 = arith.muli %parallel_loop3A_106, %parallel_loop3A_107 : i32
      %parallel_loop3A_109 = arith.index_cast %parallel_loop3A_108 : i32 to index
      %parallel_loop3A_110 = tpu.vector_load %arg10[%parallel_loop3A_109] {strides = array<i32>} : memref<4464xi32, #tpu.memory_space<vmem>>, vector<16xi32>,
      tpu.vector_store %arg10[%parallel_loop3A_109], %broadcast_in_dim3A_14 {strides = array<i32>} : memref<4464xi32, #tpu.memory_space<vmem>>, vector<16xi32>,
    } {sc.loop_unroll_factor = 8 : i64, sc.parallel_access}
    %mul3A_17 = arith.constant 2560 : i32
    %mul3A_18 = arith.muli %arg1, %mul3A_17 : i32
    %dma_start3A_19 = tpu.memref_slice %arg3[%mul3A_18] : memref<40960xi32, #tpu.memory_space<hbm>> -> memref<2560xi32, #tpu.memory_space<hbm>>
    %dma_start3A_20 = tpu.memref_slice %arg3[%mul3A_18] : memref<40960xi32, #tpu.memory_space<hbm>> -> memref<2560xi32, #tpu.memory_space<hbm>>
    tpu.enqueue_dma source(%dma_start3A_20 : memref<2560xi32, #tpu.memory_space<hbm>>) target(%arg8 : memref<2560xi32, #tpu.memory_space<vmem>>) target_semaphore(%arg18 : memref<!tpu.dma_semaphore, #tpu.memory_space<semaphore_mem>>)
    %mul3A_21 = arith.constant 2560 : i32
    %mul3A_22 = arith.muli %arg1, %mul3A_21 : i32
    %parallel_loop3A_23 = arith.constant 0 : i32
    %parallel_loop3A_24 = arith.constant 160 : i32
    %parallel_loop3A_25 = arith.constant 1 : i32
    scf.for %parallel_loop3A_106 = %parallel_loop3A_23 to %parallel_loop3A_24 step %parallel_loop3A_25  : i32 {
      %parallel_loop3A_107 = arith.constant 16 : i32
      %parallel_loop3A_108 = arith.muli %parallel_loop3A_106, %parallel_loop3A_107 : i32
      %parallel_loop3A_109 = arith.addi %mul3A_22, %parallel_loop3A_108 : i32
      %parallel_loop3A_110 = vector.broadcast %parallel_loop3A_109 : i32 to vector<16xi32>
      %parallel_loop3A_111 = arith.addi %iota3A, %parallel_loop3A_110 : vector<16xi32>
      %parallel_loop3A_112 = arith.constant 16 : i32
      %parallel_loop3A_113 = arith.muli %parallel_loop3A_106, %parallel_loop3A_112 : i32
      %parallel_loop3A_114 = arith.index_cast %parallel_loop3A_113 : i32 to index
      %parallel_loop3A_115 = tpu.vector_load %arg9[%parallel_loop3A_114] {strides = array<i32>} : memref<2560xi32, #tpu.memory_space<vmem>>, vector<16xi32>,
      tpu.vector_store %arg9[%parallel_loop3A_114], %parallel_loop3A_111 {strides = array<i32>} : memref<2560xi32, #tpu.memory_space<vmem>>, vector<16xi32>,
    } {sc.loop_unroll_factor = 8 : i64, sc.parallel_access}
    %add3A_26 = arith.constant 0 : i32
    %add3A_27 = arith.addi %mul3A_13, %add3A_26 : i32
    "tpu.region"() ({
      %run_scoped3A = tpu.sem_alloc : memref<!tpu.dma_semaphore, #tpu.memory_space<semaphore_mem>>
      %dma_start3A_106 = tpu.memref_slice %arg15[%add3A_27] : memref<214280xi32, #tpu.memory_space<vmem_shared>> -> memref<4464xi32, #tpu.memory_space<vmem_shared>>
      %dma_start3A_107 = tpu.memref_slice %arg15[%add3A_27] : memref<214280xi32, #tpu.memory_space<vmem_shared>> -> memref<4464xi32, #tpu.memory_space<vmem_shared>>
      tpu.enqueue_dma source(%arg10 : memref<4464xi32, #tpu.memory_space<vmem>>) target(%dma_start3A_107 : memref<4464xi32, #tpu.memory_space<vmem_shared>>) target_semaphore(%run_scoped3A : memref<!tpu.dma_semaphore, #tpu.memory_space<semaphore_mem>>)
      %dma_wait3A_108 = tpu.memref_slice %arg15[%add3A_27] : memref<214280xi32, #tpu.memory_space<vmem_shared>> -> memref<4464xi32, #tpu.memory_space<vmem_shared>>
      %dma_wait3A_109 = tpu.memref_slice %arg15[%add3A_27] : memref<214280xi32, #tpu.memory_space<vmem_shared>> -> memref<4464xi32, #tpu.memory_space<vmem_shared>>
      tpu.wait_dma2 semaphore(%run_scoped3A : memref<!tpu.dma_semaphore, #tpu.memory_space<semaphore_mem>>) src(%arg10 : memref<4464xi32, #tpu.memory_space<vmem>>) dst(%dma_wait3A_109 : memref<4464xi32, #tpu.memory_space<vmem_shared>>)
      tpu.yield
    }) : () -> ()
    %add3A_28 = arith.constant 4464 : i32
    %add3A_29 = arith.addi %mul3A_13, %add3A_28 : i32
    "tpu.region"() ({
      %run_scoped3A = tpu.sem_alloc : memref<!tpu.dma_semaphore, #tpu.memory_space<semaphore_mem>>
      %dma_start3A_106 = tpu.memref_slice %arg15[%add3A_29] : memref<214280xi32, #tpu.memory_space<vmem_shared>> -> memref<4464xi32, #tpu.memory_space<vmem_shared>>
      %dma_start3A_107 = tpu.memref_slice %arg15[%add3A_29] : memref<214280xi32, #tpu.memory_space<vmem_shared>> -> memref<4464xi32, #tpu.memory_space<vmem_shared>>
      tpu.enqueue_dma source(%arg10 : memref<4464xi32, #tpu.memory_space<vmem>>) target(%dma_start3A_107 : memref<4464xi32, #tpu.memory_space<vmem_shared>>) target_semaphore(%run_scoped3A : memref<!tpu.dma_semaphore, #tpu.memory_space<semaphore_mem>>)
      %dma_wait3A_108 = tpu.memref_slice %arg15[%add3A_29] : memref<214280xi32, #tpu.memory_space<vmem_shared>> -> memref<4464xi32, #tpu.memory_space<vmem_shared>>
      %dma_wait3A_109 = tpu.memref_slice %arg15[%add3A_29] : memref<214280xi32, #tpu.memory_space<vmem_shared>> -> memref<4464xi32, #tpu.memory_space<vmem_shared>>
      tpu.wait_dma2 semaphore(%run_scoped3A : memref<!tpu.dma_semaphore, #tpu.memory_space<semaphore_mem>>) src(%arg10 : memref<4464xi32, #tpu.memory_space<vmem>>) dst(%dma_wait3A_109 : memref<4464xi32, #tpu.memory_space<vmem_shared>>)
      tpu.yield
    }) : () -> ()
    %add3A_30 = arith.constant 8928 : i32
    %add3A_31 = arith.addi %mul3A_13, %add3A_30 : i32
    "tpu.region"() ({
      %run_scoped3A = tpu.sem_alloc : memref<!tpu.dma_semaphore, #tpu.memory_space<semaphore_mem>>
      %dma_start3A_106 = tpu.memref_slice %arg15[%add3A_31] : memref<214280xi32, #tpu.memory_space<vmem_shared>> -> memref<4464xi32, #tpu.memory_space<vmem_shared>>
      %dma_start3A_107 = tpu.memref_slice %arg15[%add3A_31] : memref<214280xi32, #tpu.memory_space<vmem_shared>> -> memref<4464xi32, #tpu.memory_space<vmem_shared>>
      tpu.enqueue_dma source(%arg10 : memref<4464xi32, #tpu.memory_space<vmem>>) target(%dma_start3A_107 : memref<4464xi32, #tpu.memory_space<vmem_shared>>) target_semaphore(%run_scoped3A : memref<!tpu.dma_semaphore, #tpu.memory_space<semaphore_mem>>)
      %dma_wait3A_108 = tpu.memref_slice %arg15[%add3A_31] : memref<214280xi32, #tpu.memory_space<vmem_shared>> -> memref<4464xi32, #tpu.memory_space<vmem_shared>>
      %dma_wait3A_109 = tpu.memref_slice %arg15[%add3A_31] : memref<214280xi32, #tpu.memory_space<vmem_shared>> -> memref<4464xi32, #tpu.memory_space<vmem_shared>>
      tpu.wait_dma2 semaphore(%run_scoped3A : memref<!tpu.dma_semaphore, #tpu.memory_space<semaphore_mem>>) src(%arg10 : memref<4464xi32, #tpu.memory_space<vmem>>) dst(%dma_wait3A_109 : memref<4464xi32, #tpu.memory_space<vmem_shared>>)
      tpu.yield
    }) : () -> ()
    %dma_wait3A = tpu.memref_slice %arg3[%mul3A_18] : memref<40960xi32, #tpu.memory_space<hbm>> -> memref<2560xi32, #tpu.memory_space<hbm>>
    %dma_wait3A_32 = tpu.memref_slice %arg3[%mul3A_18] : memref<40960xi32, #tpu.memory_space<hbm>> -> memref<2560xi32, #tpu.memory_space<hbm>>
    tpu.wait_dma2 semaphore(%arg18 : memref<!tpu.dma_semaphore, #tpu.memory_space<semaphore_mem>>) src(%dma_wait3A_32 : memref<2560xi32, #tpu.memory_space<hbm>>) dst(%arg8 : memref<2560xi32, #tpu.memory_space<vmem>>)
    %barrier3A = arith.constant 0 : index
    tpu.barrier barrier_id(%barrier3A)
    "tpu.region"() ({
      %run_scoped3A = tpu.sem_alloc : memref<!tpu.dma_semaphore, #tpu.memory_space<semaphore_mem>>
      %dma_start3A_106 = arith.constant 0 : i32
      %dma_start3A_107 = tpu.memref_slice %arg15[%dma_start3A_106] : memref<214280xi32, #tpu.memory_space<vmem_shared>> -> memref<214280xi32, #tpu.memory_space<vmem_shared>>
      tpu.enqueue_indirect_dma source(%arg9 : memref<2560xi32, #tpu.memory_space<vmem>>) target(%dma_start3A_107 : memref<214280xi32, #tpu.memory_space<vmem_shared>>) offsets(%arg8 : memref<2560xi32, #tpu.memory_space<vmem>>) semaphore(%run_scoped3A : memref<!tpu.dma_semaphore, #tpu.memory_space<semaphore_mem>>)
      %dma_wait3A_108 = arith.constant 0 : i32
      %dma_wait3A_109 = tpu.memref_slice %arg15[%dma_wait3A_108] : memref<214280xi32, #tpu.memory_space<vmem_shared>> -> memref<214280xi32, #tpu.memory_space<vmem_shared>>
      tpu.wait_indirect_dma semaphore(%run_scoped3A : memref<!tpu.dma_semaphore, #tpu.memory_space<semaphore_mem>>) src(%arg9 : memref<2560xi32, #tpu.memory_space<vmem>>) dst(%dma_wait3A_109 : memref<214280xi32, #tpu.memory_space<vmem_shared>>)
      tpu.yield
    }) : () -> ()
    %barrier3A_33 = arith.constant 0 : index
    tpu.barrier barrier_id(%barrier3A_33)
    %mul3A_34 = arith.constant 40960 : i32
    %mul3A_35 = arith.muli %mul3A_2, %mul3A_34 : i32
    %dma_wait3A_36 = tpu.memref_slice %arg2[%mul3A_35] : memref<2621440xf32, #tpu.memory_space<hbm>> -> memref<40016xf32, #tpu.memory_space<hbm>>
    %dma_wait3A_37 = tpu.memref_slice %arg2[%mul3A_35] : memref<2621440xf32, #tpu.memory_space<hbm>> -> memref<40016xf32, #tpu.memory_space<hbm>>
    tpu.wait_dma2 semaphore(%arg16 : memref<!tpu.dma_semaphore, #tpu.memory_space<semaphore_mem>>) src(%dma_wait3A_37 : memref<40016xf32, #tpu.memory_space<hbm>>) dst(%arg5 : memref<40016xf32, #tpu.memory_space<vmem>>)
    %add3A_38 = arith.constant 1 : i32
    %add3A_39 = arith.addi %mul3A_2, %add3A_38 : i32
    %mul3A_40 = arith.constant 40960 : i32
    %mul3A_41 = arith.muli %add3A_39, %mul3A_40 : i32
    %dma_wait3A_42 = tpu.memref_slice %arg2[%mul3A_41] : memref<2621440xf32, #tpu.memory_space<hbm>> -> memref<40016xf32, #tpu.memory_space<hbm>>
    %dma_wait3A_43 = tpu.memref_slice %arg2[%mul3A_41] : memref<2621440xf32, #tpu.memory_space<hbm>> -> memref<40016xf32, #tpu.memory_space<hbm>>
    tpu.wait_dma2 semaphore(%arg17 : memref<!tpu.dma_semaphore, #tpu.memory_space<semaphore_mem>>) src(%dma_wait3A_43 : memref<40016xf32, #tpu.memory_space<hbm>>) dst(%arg6 : memref<40016xf32, #tpu.memory_space<vmem>>)
    %broadcast_in_dim3A_44 = arith.constant 0.000000e+00 : f32
    %broadcast_in_dim3A_45 = vector.broadcast %broadcast_in_dim3A_44 : f32 to vector<16xf32>
    %swap3A = arith.constant 40000 : index
    %swap3A_46 = tpu.vector_load %arg5[%swap3A] {strides = array<i32>} : memref<40016xf32, #tpu.memory_space<vmem>>, vector<16xf32>,
    tpu.vector_store %arg5[%swap3A], %broadcast_in_dim3A_45 {strides = array<i32>} : memref<40016xf32, #tpu.memory_space<vmem>>, vector<16xf32>,
    %swap3A_47 = arith.constant 40000 : index
    %swap3A_48 = tpu.vector_load %arg6[%swap3A_47] {strides = array<i32>} : memref<40016xf32, #tpu.memory_space<vmem>>, vector<16xf32>,
    tpu.vector_store %arg6[%swap3A_47], %broadcast_in_dim3A_45 {strides = array<i32>} : memref<40016xf32, #tpu.memory_space<vmem>>, vector<16xf32>,
    %dma_start3A_49 = arith.constant 0 : i32
    %dma_start3A_50 = tpu.memref_slice %arg7[%dma_start3A_49] : memref<7936xi32, #tpu.memory_space<vmem>> -> memref<3968xi32, #tpu.memory_space<vmem>>
    %dma_start3A_51 = arith.constant 0 : i32
    %dma_start3A_52 = tpu.memref_slice %arg15[%dma_start3A_51] : memref<214280xi32, #tpu.memory_space<vmem_shared>> -> memref<3968xi32, #tpu.memory_space<vmem_shared>>
    %dma_start3A_53 = arith.constant 0 : i32
    %dma_start3A_54 = tpu.memref_slice %arg7[%dma_start3A_53] : memref<7936xi32, #tpu.memory_space<vmem>> -> memref<3968xi32, #tpu.memory_space<vmem>>
    %dma_start3A_55 = arith.constant 0 : i32
    %dma_start3A_56 = tpu.memref_slice %arg15[%dma_start3A_55] : memref<214280xi32, #tpu.memory_space<vmem_shared>> -> memref<3968xi32, #tpu.memory_space<vmem_shared>>
    tpu.enqueue_dma source(%dma_start3A_56 : memref<3968xi32, #tpu.memory_space<vmem_shared>>) target(%dma_start3A_54 : memref<3968xi32, #tpu.memory_space<vmem>>) target_semaphore(%arg20 : memref<!tpu.dma_semaphore, #tpu.memory_space<semaphore_mem>>)
    %scan3A = arith.constant 0 : i32
    %scan3A_57 = arith.constant 0 : i32
    %scan3A_58 = arith.constant 27 : i32
    %scan3A_59 = arith.addi %scan3A_57, %scan3A_58 : i32
    %scan3A_60 = arith.constant 1 : i32
    scf.for %scan3A_106 = %scan3A_57 to %scan3A_59 step %scan3A_60  : i32 {
      %mul3A_107 = arith.constant 2 : i32
      %mul3A_108 = arith.muli %scan3A_106, %mul3A_107 : i32
      %add3A_109 = arith.constant 1 : i32
      %add3A_110 = arith.addi %mul3A_108, %add3A_109 : i32
      %mul3A_111 = arith.constant 3968 : i32
      %mul3A_112 = arith.muli %add3A_110, %mul3A_111 : i32
      %dma_start3A_113 = arith.constant 3968 : i32
      %dma_start3A_114 = tpu.memref_slice %arg7[%dma_start3A_113] : memref<7936xi32, #tpu.memory_space<vmem>> -> memref<3968xi32, #tpu.memory_space<vmem>>
      %dma_start3A_115 = tpu.memref_slice %arg15[%mul3A_112] : memref<214280xi32, #tpu.memory_space<vmem_shared>> -> memref<3968xi32, #tpu.memory_space<vmem_shared>>
      %dma_start3A_116 = arith.constant 3968 : i32
      %dma_start3A_117 = tpu.memref_slice %arg7[%dma_start3A_116] : memref<7936xi32, #tpu.memory_space<vmem>> -> memref<3968xi32, #tpu.memory_space<vmem>>
      %dma_start3A_118 = tpu.memref_slice %arg15[%mul3A_112] : memref<214280xi32, #tpu.memory_space<vmem_shared>> -> memref<3968xi32, #tpu.memory_space<vmem_shared>>
      tpu.enqueue_dma source(%dma_start3A_118 : memref<3968xi32, #tpu.memory_space<vmem_shared>>) target(%dma_start3A_117 : memref<3968xi32, #tpu.memory_space<vmem>>) target_semaphore(%arg21 : memref<!tpu.dma_semaphore, #tpu.memory_space<semaphore_mem>>)
      %gt3A = arith.constant 0 : i32
      %gt3A_119 = arith.cmpi sgt, %scan3A_106, %gt3A : i32
      %mul3A_120 = arith.constant 3968 : i32
      %mul3A_121 = arith.muli %mul3A_108, %mul3A_120 : i32
      %dma_wait3A_122 = arith.constant 0 : i32
      %dma_wait3A_123 = tpu.memref_slice %arg7[%dma_wait3A_122] : memref<7936xi32, #tpu.memory_space<vmem>> -> memref<3968xi32, #tpu.memory_space<vmem>>
      %dma_wait3A_124 = tpu.memref_slice %arg15[%mul3A_121] : memref<214280xi32, #tpu.memory_space<vmem_shared>> -> memref<3968xi32, #tpu.memory_space<vmem_shared>>
      %dma_wait3A_125 = arith.constant 0 : i32
      %dma_wait3A_126 = tpu.memref_slice %arg7[%dma_wait3A_125] : memref<7936xi32, #tpu.memory_space<vmem>> -> memref<3968xi32, #tpu.memory_space<vmem>>
      %dma_wait3A_127 = tpu.memref_slice %arg15[%mul3A_121] : memref<214280xi32, #tpu.memory_space<vmem_shared>> -> memref<3968xi32, #tpu.memory_space<vmem_shared>>
      tpu.wait_dma2 semaphore(%arg20 : memref<!tpu.dma_semaphore, #tpu.memory_space<semaphore_mem>>) src(%dma_wait3A_127 : memref<3968xi32, #tpu.memory_space<vmem_shared>>) dst(%dma_wait3A_126 : memref<3968xi32, #tpu.memory_space<vmem>>)
      %convert_element_type3A = arith.extui %gt3A_119 : i1 to i32
      %cond3A = arith.constant 0 : i32
      %cond3A_128 = arith.cmpi ne, %convert_element_type3A, %cond3A : i32
      scf.if %cond3A_128 {
        %add3A_200 = arith.constant 0 : i32
        %add3A_201 = arith.addi %mul3A_2, %add3A_200 : i32
        %dma_wait3A_202 = arith.constant 0 : i32
        %dma_wait3A_203 = arith.constant 0 : i32
        %dma_wait3A_204 = arith.constant 0 : i32
        %dma_wait3A_205 = tpu.memref_slice %arg4[%dma_wait3A_202, %add3A_201, %dma_wait3A_203, %dma_wait3A_204] : memref<1x64x432x496xf32, #tpu.memory_space<hbm>> -> memref<1x1x8x496xf32, #tpu.memory_space<hbm>>
        %dma_wait3A_206 = tpu.memref_squeeze %dma_wait3A_205 : memref<1x1x8x496xf32, #tpu.memory_space<hbm>> -> memref<8x496xf32, #tpu.memory_space<hbm>>
        %dma_wait3A_207 = arith.constant 0 : i32
        %dma_wait3A_208 = arith.constant 0 : i32
        %dma_wait3A_209 = tpu.memref_slice %arg4[%dma_wait3A_202, %add3A_201, %dma_wait3A_207, %dma_wait3A_208] : memref<1x64x432x496xf32, #tpu.memory_space<hbm>> -> memref<1x1x8x496xf32, #tpu.memory_space<hbm>>
        %dma_wait3A_210 = tpu.memref_squeeze %dma_wait3A_209 : memref<1x1x8x496xf32, #tpu.memory_space<hbm>> -> memref<8x496xf32, #tpu.memory_space<hbm>>
        tpu.wait_dma2 semaphore(%arg22 : memref<!tpu.dma_semaphore, #tpu.memory_space<semaphore_mem>>) src(%arg11 : memref<8x496xf32, #tpu.memory_space<vmem>>) dst(%dma_wait3A_210 : memref<8x496xf32, #tpu.memory_space<hbm>>)
        %add3A_211 = arith.constant 1 : i32
        %add3A_212 = arith.addi %mul3A_2, %add3A_211 : i32
        %dma_wait3A_213 = arith.constant 0 : i32
        %dma_wait3A_214 = arith.constant 0 : i32
        %dma_wait3A_215 = arith.constant 0 : i32
        %dma_wait3A_216 = tpu.memref_slice %arg4[%dma_wait3A_213, %add3A_212, %dma_wait3A_214, %dma_wait3A_215] : memref<1x64x432x496xf32, #tpu.memory_space<hbm>> -> memref<1x1x8x496xf32, #tpu.memory_space<hbm>>
        %dma_wait3A_217 = tpu.memref_squeeze %dma_wait3A_216 : memref<1x1x8x496xf32, #tpu.memory_space<hbm>> -> memref<8x496xf32, #tpu.memory_space<hbm>>
        %dma_wait3A_218 = arith.constant 0 : i32
        %dma_wait3A_219 = arith.constant 0 : i32
        %dma_wait3A_220 = tpu.memref_slice %arg4[%dma_wait3A_213, %add3A_212, %dma_wait3A_218, %dma_wait3A_219] : memref<1x64x432x496xf32, #tpu.memory_space<hbm>> -> memref<1x1x8x496xf32, #tpu.memory_space<hbm>>
        %dma_wait3A_221 = tpu.memref_squeeze %dma_wait3A_220 : memref<1x1x8x496xf32, #tpu.memory_space<hbm>> -> memref<8x496xf32, #tpu.memory_space<hbm>>
        tpu.wait_dma2 semaphore(%arg24 : memref<!tpu.dma_semaphore, #tpu.memory_space<semaphore_mem>>) src(%arg13 : memref<8x496xf32, #tpu.memory_space<vmem>>) dst(%dma_wait3A_221 : memref<8x496xf32, #tpu.memory_space<hbm>>)
      } else {
      }
      %parallel_loop3A_129 = arith.constant 0 : i32
      %parallel_loop3A_130 = arith.constant 31 : i32
      %parallel_loop3A_131 = arith.constant 1 : i32
      scf.for %parallel_loop3A_200 = %parallel_loop3A_129 to %parallel_loop3A_130 step %parallel_loop3A_131  : i32 {
        %parallel_loop3A_201 = arith.constant 16 : i32
        %parallel_loop3A_202 = arith.muli %parallel_loop3A_200, %parallel_loop3A_201 : i32
        %parallel_loop3A_203 = arith.constant 0 : i32
        %parallel_loop3A_204 = arith.addi %parallel_loop3A_203, %parallel_loop3A_202 : i32
        %parallel_loop3A_205 = arith.index_cast %parallel_loop3A_204 : i32 to index
        %parallel_loop3A_206 = tpu.vector_load %arg7[%parallel_loop3A_205] {strides = array<i32>} : memref<7936xi32, #tpu.memory_space<vmem>>, vector<16xi32>,
        %parallel_loop3A_207 = tpu.vector_load_idx %arg5[%parallel_loop3A_206] : memref<40016xf32, #tpu.memory_space<vmem>>[vector<16xi32>], vector<16xf32>,
        %parallel_loop3A_208 = arith.constant 16 : i32
        %parallel_loop3A_209 = arith.muli %parallel_loop3A_200, %parallel_loop3A_208 : i32
        %parallel_loop3A_210 = arith.constant 0 : i32
        %parallel_loop3A_211 = arith.index_cast %parallel_loop3A_210 : i32 to index
        %parallel_loop3A_212 = arith.index_cast %parallel_loop3A_209 : i32 to index
        %parallel_loop3A_213 = tpu.vector_load %arg11[%parallel_loop3A_211, %parallel_loop3A_212] {strides = array<i32>} : memref<8x496xf32, #tpu.memory_space<vmem>>, vector<16xf32>,
        tpu.vector_store %arg11[%parallel_loop3A_211, %parallel_loop3A_212], %parallel_loop3A_207 {strides = array<i32>} : memref<8x496xf32, #tpu.memory_space<vmem>>, vector<16xf32>,
        %parallel_loop3A_214 = tpu.vector_load_idx %arg6[%parallel_loop3A_206] : memref<40016xf32, #tpu.memory_space<vmem>>[vector<16xi32>], vector<16xf32>,
        %parallel_loop3A_215 = arith.constant 16 : i32
        %parallel_loop3A_216 = arith.muli %parallel_loop3A_200, %parallel_loop3A_215 : i32
        %parallel_loop3A_217 = arith.constant 0 : i32
        %parallel_loop3A_218 = arith.index_cast %parallel_loop3A_217 : i32 to index
        %parallel_loop3A_219 = arith.index_cast %parallel_loop3A_216 : i32 to index
        %parallel_loop3A_220 = tpu.vector_load %arg13[%parallel_loop3A_218, %parallel_loop3A_219] {strides = array<i32>} : memref<8x496xf32, #tpu.memory_space<vmem>>, vector<16xf32>,
        tpu.vector_store %arg13[%parallel_loop3A_218, %parallel_loop3A_219], %parallel_loop3A_214 {strides = array<i32>} : memref<8x496xf32, #tpu.memory_space<vmem>>, vector<16xf32>,
        %parallel_loop3A_221 = arith.constant 16 : i32
        %parallel_loop3A_222 = arith.muli %parallel_loop3A_200, %parallel_loop3A_221 : i32
        %parallel_loop3A_223 = arith.constant 496 : i32
        %parallel_loop3A_224 = arith.addi %parallel_loop3A_223, %parallel_loop3A_222 : i32
        %parallel_loop3A_225 = arith.index_cast %parallel_loop3A_224 : i32 to index
        %parallel_loop3A_226 = tpu.vector_load %arg7[%parallel_loop3A_225] {strides = array<i32>} : memref<7936xi32, #tpu.memory_space<vmem>>, vector<16xi32>,
        %parallel_loop3A_227 = tpu.vector_load_idx %arg5[%parallel_loop3A_226] : memref<40016xf32, #tpu.memory_space<vmem>>[vector<16xi32>], vector<16xf32>,
        %parallel_loop3A_228 = arith.constant 16 : i32
        %parallel_loop3A_229 = arith.muli %parallel_loop3A_200, %parallel_loop3A_228 : i32
        %parallel_loop3A_230 = arith.constant 1 : i32
        %parallel_loop3A_231 = arith.index_cast %parallel_loop3A_230 : i32 to index
        %parallel_loop3A_232 = arith.index_cast %parallel_loop3A_229 : i32 to index
        %parallel_loop3A_233 = tpu.vector_load %arg11[%parallel_loop3A_231, %parallel_loop3A_232] {strides = array<i32>} : memref<8x496xf32, #tpu.memory_space<vmem>>, vector<16xf32>,
        tpu.vector_store %arg11[%parallel_loop3A_231, %parallel_loop3A_232], %parallel_loop3A_227 {strides = array<i32>} : memref<8x496xf32, #tpu.memory_space<vmem>>, vector<16xf32>,
        %parallel_loop3A_234 = tpu.vector_load_idx %arg6[%parallel_loop3A_226] : memref<40016xf32, #tpu.memory_space<vmem>>[vector<16xi32>], vector<16xf32>,
        %parallel_loop3A_235 = arith.constant 16 : i32
        %parallel_loop3A_236 = arith.muli %parallel_loop3A_200, %parallel_loop3A_235 : i32
        %parallel_loop3A_237 = arith.constant 1 : i32
        %parallel_loop3A_238 = arith.index_cast %parallel_loop3A_237 : i32 to index
        %parallel_loop3A_239 = arith.index_cast %parallel_loop3A_236 : i32 to index
        %parallel_loop3A_240 = tpu.vector_load %arg13[%parallel_loop3A_238, %parallel_loop3A_239] {strides = array<i32>} : memref<8x496xf32, #tpu.memory_space<vmem>>, vector<16xf32>,
        tpu.vector_store %arg13[%parallel_loop3A_238, %parallel_loop3A_239], %parallel_loop3A_234 {strides = array<i32>} : memref<8x496xf32, #tpu.memory_space<vmem>>, vector<16xf32>,
        %parallel_loop3A_241 = arith.constant 16 : i32
        %parallel_loop3A_242 = arith.muli %parallel_loop3A_200, %parallel_loop3A_241 : i32
        %parallel_loop3A_243 = arith.constant 992 : i32
        %parallel_loop3A_244 = arith.addi %parallel_loop3A_243, %parallel_loop3A_242 : i32
        %parallel_loop3A_245 = arith.index_cast %parallel_loop3A_244 : i32 to index
        %parallel_loop3A_246 = tpu.vector_load %arg7[%parallel_loop3A_245] {strides = array<i32>} : memref<7936xi32, #tpu.memory_space<vmem>>, vector<16xi32>,
        %parallel_loop3A_247 = tpu.vector_load_idx %arg5[%parallel_loop3A_246] : memref<40016xf32, #tpu.memory_space<vmem>>[vector<16xi32>], vector<16xf32>,
        %parallel_loop3A_248 = arith.constant 16 : i32
        %parallel_loop3A_249 = arith.muli %parallel_loop3A_200, %parallel_loop3A_248 : i32
        %parallel_loop3A_250 = arith.constant 2 : i32
        %parallel_loop3A_251 = arith.index_cast %parallel_loop3A_250 : i32 to index
        %parallel_loop3A_252 = arith.index_cast %parallel_loop3A_249 : i32 to index
        %parallel_loop3A_253 = tpu.vector_load %arg11[%parallel_loop3A_251, %parallel_loop3A_252] {strides = array<i32>} : memref<8x496xf32, #tpu.memory_space<vmem>>, vector<16xf32>,
        tpu.vector_store %arg11[%parallel_loop3A_251, %parallel_loop3A_252], %parallel_loop3A_247 {strides = array<i32>} : memref<8x496xf32, #tpu.memory_space<vmem>>, vector<16xf32>,
        %parallel_loop3A_254 = tpu.vector_load_idx %arg6[%parallel_loop3A_246] : memref<40016xf32, #tpu.memory_space<vmem>>[vector<16xi32>], vector<16xf32>,
        %parallel_loop3A_255 = arith.constant 16 : i32
        %parallel_loop3A_256 = arith.muli %parallel_loop3A_200, %parallel_loop3A_255 : i32
        %parallel_loop3A_257 = arith.constant 2 : i32
        %parallel_loop3A_258 = arith.index_cast %parallel_loop3A_257 : i32 to index
        %parallel_loop3A_259 = arith.index_cast %parallel_loop3A_256 : i32 to index
        %parallel_loop3A_260 = tpu.vector_load %arg13[%parallel_loop3A_258, %parallel_loop3A_259] {strides = array<i32>} : memref<8x496xf32, #tpu.memory_space<vmem>>, vector<16xf32>,
        tpu.vector_store %arg13[%parallel_loop3A_258, %parallel_loop3A_259], %parallel_loop3A_254 {strides = array<i32>} : memref<8x496xf32, #tpu.memory_space<vmem>>, vector<16xf32>,
        %parallel_loop3A_261 = arith.constant 16 : i32
        %parallel_loop3A_262 = arith.muli %parallel_loop3A_200, %parallel_loop3A_261 : i32
        %parallel_loop3A_263 = arith.constant 1488 : i32
        %parallel_loop3A_264 = arith.addi %parallel_loop3A_263, %parallel_loop3A_262 : i32
        %parallel_loop3A_265 = arith.index_cast %parallel_loop3A_264 : i32 to index
        %parallel_loop3A_266 = tpu.vector_load %arg7[%parallel_loop3A_265] {strides = array<i32>} : memref<7936xi32, #tpu.memory_space<vmem>>, vector<16xi32>,
        %parallel_loop3A_267 = tpu.vector_load_idx %arg5[%parallel_loop3A_266] : memref<40016xf32, #tpu.memory_space<vmem>>[vector<16xi32>], vector<16xf32>,
        %parallel_loop3A_268 = arith.constant 16 : i32
        %parallel_loop3A_269 = arith.muli %parallel_loop3A_200, %parallel_loop3A_268 : i32
        %parallel_loop3A_270 = arith.constant 3 : i32
        %parallel_loop3A_271 = arith.index_cast %parallel_loop3A_270 : i32 to index
        %parallel_loop3A_272 = arith.index_cast %parallel_loop3A_269 : i32 to index
        %parallel_loop3A_273 = tpu.vector_load %arg11[%parallel_loop3A_271, %parallel_loop3A_272] {strides = array<i32>} : memref<8x496xf32, #tpu.memory_space<vmem>>, vector<16xf32>,
        tpu.vector_store %arg11[%parallel_loop3A_271, %parallel_loop3A_272], %parallel_loop3A_267 {strides = array<i32>} : memref<8x496xf32, #tpu.memory_space<vmem>>, vector<16xf32>,
        %parallel_loop3A_274 = tpu.vector_load_idx %arg6[%parallel_loop3A_266] : memref<40016xf32, #tpu.memory_space<vmem>>[vector<16xi32>], vector<16xf32>,
        %parallel_loop3A_275 = arith.constant 16 : i32
        %parallel_loop3A_276 = arith.muli %parallel_loop3A_200, %parallel_loop3A_275 : i32
        %parallel_loop3A_277 = arith.constant 3 : i32
        %parallel_loop3A_278 = arith.index_cast %parallel_loop3A_277 : i32 to index
        %parallel_loop3A_279 = arith.index_cast %parallel_loop3A_276 : i32 to index
        %parallel_loop3A_280 = tpu.vector_load %arg13[%parallel_loop3A_278, %parallel_loop3A_279] {strides = array<i32>} : memref<8x496xf32, #tpu.memory_space<vmem>>, vector<16xf32>,
        tpu.vector_store %arg13[%parallel_loop3A_278, %parallel_loop3A_279], %parallel_loop3A_274 {strides = array<i32>} : memref<8x496xf32, #tpu.memory_space<vmem>>, vector<16xf32>,
        %parallel_loop3A_281 = arith.constant 16 : i32
        %parallel_loop3A_282 = arith.muli %parallel_loop3A_200, %parallel_loop3A_281 : i32
        %parallel_loop3A_283 = arith.constant 1984 : i32
        %parallel_loop3A_284 = arith.addi %parallel_loop3A_283, %parallel_loop3A_282 : i32
        %parallel_loop3A_285 = arith.index_cast %parallel_loop3A_284 : i32 to index
        %parallel_loop3A_286 = tpu.vector_load %arg7[%parallel_loop3A_285] {strides = array<i32>} : memref<7936xi32, #tpu.memory_space<vmem>>, vector<16xi32>,
        %parallel_loop3A_287 = tpu.vector_load_idx %arg5[%parallel_loop3A_286] : memref<40016xf32, #tpu.memory_space<vmem>>[vector<16xi32>], vector<16xf32>,
        %parallel_loop3A_288 = arith.constant 16 : i32
        %parallel_loop3A_289 = arith.muli %parallel_loop3A_200, %parallel_loop3A_288 : i32
        %parallel_loop3A_290 = arith.constant 4 : i32
        %parallel_loop3A_291 = arith.index_cast %parallel_loop3A_290 : i32 to index
        %parallel_loop3A_292 = arith.index_cast %parallel_loop3A_289 : i32 to index
        %parallel_loop3A_293 = tpu.vector_load %arg11[%parallel_loop3A_291, %parallel_loop3A_292] {strides = array<i32>} : memref<8x496xf32, #tpu.memory_space<vmem>>, vector<16xf32>,
        tpu.vector_store %arg11[%parallel_loop3A_291, %parallel_loop3A_292], %parallel_loop3A_287 {strides = array<i32>} : memref<8x496xf32, #tpu.memory_space<vmem>>, vector<16xf32>,
        %parallel_loop3A_294 = tpu.vector_load_idx %arg6[%parallel_loop3A_286] : memref<40016xf32, #tpu.memory_space<vmem>>[vector<16xi32>], vector<16xf32>,
        %parallel_loop3A_295 = arith.constant 16 : i32
        %parallel_loop3A_296 = arith.muli %parallel_loop3A_200, %parallel_loop3A_295 : i32
        %parallel_loop3A_297 = arith.constant 4 : i32
        %parallel_loop3A_298 = arith.index_cast %parallel_loop3A_297 : i32 to index
        %parallel_loop3A_299 = arith.index_cast %parallel_loop3A_296 : i32 to index
        %parallel_loop3A_300 = tpu.vector_load %arg13[%parallel_loop3A_298, %parallel_loop3A_299] {strides = array<i32>} : memref<8x496xf32, #tpu.memory_space<vmem>>, vector<16xf32>,
        tpu.vector_store %arg13[%parallel_loop3A_298, %parallel_loop3A_299], %parallel_loop3A_294 {strides = array<i32>} : memref<8x496xf32, #tpu.memory_space<vmem>>, vector<16xf32>,
        %parallel_loop3A_301 = arith.constant 16 : i32
        %parallel_loop3A_302 = arith.muli %parallel_loop3A_200, %parallel_loop3A_301 : i32
        %parallel_loop3A_303 = arith.constant 2480 : i32
        %parallel_loop3A_304 = arith.addi %parallel_loop3A_303, %parallel_loop3A_302 : i32
        %parallel_loop3A_305 = arith.index_cast %parallel_loop3A_304 : i32 to index
        %parallel_loop3A_306 = tpu.vector_load %arg7[%parallel_loop3A_305] {strides = array<i32>} : memref<7936xi32, #tpu.memory_space<vmem>>, vector<16xi32>,
        %parallel_loop3A_307 = tpu.vector_load_idx %arg5[%parallel_loop3A_306] : memref<40016xf32, #tpu.memory_space<vmem>>[vector<16xi32>], vector<16xf32>,
        %parallel_loop3A_308 = arith.constant 16 : i32
        %parallel_loop3A_309 = arith.muli %parallel_loop3A_200, %parallel_loop3A_308 : i32
        %parallel_loop3A_310 = arith.constant 5 : i32
        %parallel_loop3A_311 = arith.index_cast %parallel_loop3A_310 : i32 to index
        %parallel_loop3A_312 = arith.index_cast %parallel_loop3A_309 : i32 to index
        %parallel_loop3A_313 = tpu.vector_load %arg11[%parallel_loop3A_311, %parallel_loop3A_312] {strides = array<i32>} : memref<8x496xf32, #tpu.memory_space<vmem>>, vector<16xf32>,
        tpu.vector_store %arg11[%parallel_loop3A_311, %parallel_loop3A_312], %parallel_loop3A_307 {strides = array<i32>} : memref<8x496xf32, #tpu.memory_space<vmem>>, vector<16xf32>,
        %parallel_loop3A_314 = tpu.vector_load_idx %arg6[%parallel_loop3A_306] : memref<40016xf32, #tpu.memory_space<vmem>>[vector<16xi32>], vector<16xf32>,
        %parallel_loop3A_315 = arith.constant 16 : i32
        %parallel_loop3A_316 = arith.muli %parallel_loop3A_200, %parallel_loop3A_315 : i32
        %parallel_loop3A_317 = arith.constant 5 : i32
        %parallel_loop3A_318 = arith.index_cast %parallel_loop3A_317 : i32 to index
        %parallel_loop3A_319 = arith.index_cast %parallel_loop3A_316 : i32 to index
        %parallel_loop3A_320 = tpu.vector_load %arg13[%parallel_loop3A_318, %parallel_loop3A_319] {strides = array<i32>} : memref<8x496xf32, #tpu.memory_space<vmem>>, vector<16xf32>,
        tpu.vector_store %arg13[%parallel_loop3A_318, %parallel_loop3A_319], %parallel_loop3A_314 {strides = array<i32>} : memref<8x496xf32, #tpu.memory_space<vmem>>, vector<16xf32>,
        %parallel_loop3A_321 = arith.constant 16 : i32
        %parallel_loop3A_322 = arith.muli %parallel_loop3A_200, %parallel_loop3A_321 : i32
        %parallel_loop3A_323 = arith.constant 2976 : i32
        %parallel_loop3A_324 = arith.addi %parallel_loop3A_323, %parallel_loop3A_322 : i32
        %parallel_loop3A_325 = arith.index_cast %parallel_loop3A_324 : i32 to index
        %parallel_loop3A_326 = tpu.vector_load %arg7[%parallel_loop3A_325] {strides = array<i32>} : memref<7936xi32, #tpu.memory_space<vmem>>, vector<16xi32>,
        %parallel_loop3A_327 = tpu.vector_load_idx %arg5[%parallel_loop3A_326] : memref<40016xf32, #tpu.memory_space<vmem>>[vector<16xi32>], vector<16xf32>,
        %parallel_loop3A_328 = arith.constant 16 : i32
        %parallel_loop3A_329 = arith.muli %parallel_loop3A_200, %parallel_loop3A_328 : i32
        %parallel_loop3A_330 = arith.constant 6 : i32
        %parallel_loop3A_331 = arith.index_cast %parallel_loop3A_330 : i32 to index
        %parallel_loop3A_332 = arith.index_cast %parallel_loop3A_329 : i32 to index
        %parallel_loop3A_333 = tpu.vector_load %arg11[%parallel_loop3A_331, %parallel_loop3A_332] {strides = array<i32>} : memref<8x496xf32, #tpu.memory_space<vmem>>, vector<16xf32>,
        tpu.vector_store %arg11[%parallel_loop3A_331, %parallel_loop3A_332], %parallel_loop3A_327 {strides = array<i32>} : memref<8x496xf32, #tpu.memory_space<vmem>>, vector<16xf32>,
        %parallel_loop3A_334 = tpu.vector_load_idx %arg6[%parallel_loop3A_326] : memref<40016xf32, #tpu.memory_space<vmem>>[vector<16xi32>], vector<16xf32>,
        %parallel_loop3A_335 = arith.constant 16 : i32
        %parallel_loop3A_336 = arith.muli %parallel_loop3A_200, %parallel_loop3A_335 : i32
        %parallel_loop3A_337 = arith.constant 6 : i32
        %parallel_loop3A_338 = arith.index_cast %parallel_loop3A_337 : i32 to index
        %parallel_loop3A_339 = arith.index_cast %parallel_loop3A_336 : i32 to index
        %parallel_loop3A_340 = tpu.vector_load %arg13[%parallel_loop3A_338, %parallel_loop3A_339] {strides = array<i32>} : memref<8x496xf32, #tpu.memory_space<vmem>>, vector<16xf32>,
        tpu.vector_store %arg13[%parallel_loop3A_338, %parallel_loop3A_339], %parallel_loop3A_334 {strides = array<i32>} : memref<8x496xf32, #tpu.memory_space<vmem>>, vector<16xf32>,
        %parallel_loop3A_341 = arith.constant 16 : i32
        %parallel_loop3A_342 = arith.muli %parallel_loop3A_200, %parallel_loop3A_341 : i32
        %parallel_loop3A_343 = arith.constant 3472 : i32
        %parallel_loop3A_344 = arith.addi %parallel_loop3A_343, %parallel_loop3A_342 : i32
        %parallel_loop3A_345 = arith.index_cast %parallel_loop3A_344 : i32 to index
        %parallel_loop3A_346 = tpu.vector_load %arg7[%parallel_loop3A_345] {strides = array<i32>} : memref<7936xi32, #tpu.memory_space<vmem>>, vector<16xi32>,
        %parallel_loop3A_347 = tpu.vector_load_idx %arg5[%parallel_loop3A_346] : memref<40016xf32, #tpu.memory_space<vmem>>[vector<16xi32>], vector<16xf32>,
        %parallel_loop3A_348 = arith.constant 16 : i32
        %parallel_loop3A_349 = arith.muli %parallel_loop3A_200, %parallel_loop3A_348 : i32
        %parallel_loop3A_350 = arith.constant 7 : i32
        %parallel_loop3A_351 = arith.index_cast %parallel_loop3A_350 : i32 to index
        %parallel_loop3A_352 = arith.index_cast %parallel_loop3A_349 : i32 to index
        %parallel_loop3A_353 = tpu.vector_load %arg11[%parallel_loop3A_351, %parallel_loop3A_352] {strides = array<i32>} : memref<8x496xf32, #tpu.memory_space<vmem>>, vector<16xf32>,
        tpu.vector_store %arg11[%parallel_loop3A_351, %parallel_loop3A_352], %parallel_loop3A_347 {strides = array<i32>} : memref<8x496xf32, #tpu.memory_space<vmem>>, vector<16xf32>,
        %parallel_loop3A_354 = tpu.vector_load_idx %arg6[%parallel_loop3A_346] : memref<40016xf32, #tpu.memory_space<vmem>>[vector<16xi32>], vector<16xf32>,
        %parallel_loop3A_355 = arith.constant 16 : i32
        %parallel_loop3A_356 = arith.muli %parallel_loop3A_200, %parallel_loop3A_355 : i32
        %parallel_loop3A_357 = arith.constant 7 : i32
        %parallel_loop3A_358 = arith.index_cast %parallel_loop3A_357 : i32 to index
        %parallel_loop3A_359 = arith.index_cast %parallel_loop3A_356 : i32 to index
        %parallel_loop3A_360 = tpu.vector_load %arg13[%parallel_loop3A_358, %parallel_loop3A_359] {strides = array<i32>} : memref<8x496xf32, #tpu.memory_space<vmem>>, vector<16xf32>,
        tpu.vector_store %arg13[%parallel_loop3A_358, %parallel_loop3A_359], %parallel_loop3A_354 {strides = array<i32>} : memref<8x496xf32, #tpu.memory_space<vmem>>, vector<16xf32>,
      } {sc.loop_unroll_factor = 2 : i64, sc.parallel_access}
      %add3A_132 = arith.constant 0 : i32
      %add3A_133 = arith.addi %mul3A_2, %add3A_132 : i32
      %mul3A_134 = arith.constant 8 : i32
      %mul3A_135 = arith.muli %mul3A_108, %mul3A_134 : i32
      %dma_start3A_136 = arith.constant 0 : i32
      %dma_start3A_137 = arith.constant 0 : i32
      %dma_start3A_138 = tpu.memref_slice %arg4[%dma_start3A_136, %add3A_133, %mul3A_135, %dma_start3A_137] : memref<1x64x432x496xf32, #tpu.memory_space<hbm>> -> memref<1x1x8x496xf32, #tpu.memory_space<hbm>>
      %dma_start3A_139 = tpu.memref_squeeze %dma_start3A_138 : memref<1x1x8x496xf32, #tpu.memory_space<hbm>> -> memref<8x496xf32, #tpu.memory_space<hbm>>
      %dma_start3A_140 = arith.constant 0 : i32
      %dma_start3A_141 = tpu.memref_slice %arg4[%dma_start3A_136, %add3A_133, %mul3A_135, %dma_start3A_140] : memref<1x64x432x496xf32, #tpu.memory_space<hbm>> -> memref<1x1x8x496xf32, #tpu.memory_space<hbm>>
      %dma_start3A_142 = tpu.memref_squeeze %dma_start3A_141 : memref<1x1x8x496xf32, #tpu.memory_space<hbm>> -> memref<8x496xf32, #tpu.memory_space<hbm>>
      tpu.enqueue_dma source(%arg11 : memref<8x496xf32, #tpu.memory_space<vmem>>) target(%dma_start3A_142 : memref<8x496xf32, #tpu.memory_space<hbm>>) target_semaphore(%arg22 : memref<!tpu.dma_semaphore, #tpu.memory_space<semaphore_mem>>)
      %add3A_143 = arith.constant 1 : i32
      %add3A_144 = arith.addi %mul3A_2, %add3A_143 : i32
      %mul3A_145 = arith.constant 8 : i32
      %mul3A_146 = arith.muli %mul3A_108, %mul3A_145 : i32
      %dma_start3A_147 = arith.constant 0 : i32
      %dma_start3A_148 = arith.constant 0 : i32
      %dma_start3A_149 = tpu.memref_slice %arg4[%dma_start3A_147, %add3A_144, %mul3A_146, %dma_start3A_148] : memref<1x64x432x496xf32, #tpu.memory_space<hbm>> -> memref<1x1x8x496xf32, #tpu.memory_space<hbm>>
      %dma_start3A_150 = tpu.memref_squeeze %dma_start3A_149 : memref<1x1x8x496xf32, #tpu.memory_space<hbm>> -> memref<8x496xf32, #tpu.memory_space<hbm>>
      %dma_start3A_151 = arith.constant 0 : i32
      %dma_start3A_152 = tpu.memref_slice %arg4[%dma_start3A_147, %add3A_144, %mul3A_146, %dma_start3A_151] : memref<1x64x432x496xf32, #tpu.memory_space<hbm>> -> memref<1x1x8x496xf32, #tpu.memory_space<hbm>>
      %dma_start3A_153 = tpu.memref_squeeze %dma_start3A_152 : memref<1x1x8x496xf32, #tpu.memory_space<hbm>> -> memref<8x496xf32, #tpu.memory_space<hbm>>
      tpu.enqueue_dma source(%arg13 : memref<8x496xf32, #tpu.memory_space<vmem>>) target(%dma_start3A_153 : memref<8x496xf32, #tpu.memory_space<hbm>>) target_semaphore(%arg24 : memref<!tpu.dma_semaphore, #tpu.memory_space<semaphore_mem>>)
      %add3A_154 = arith.constant 2 : i32
      %add3A_155 = arith.addi %mul3A_108, %add3A_154 : i32
      %lt3A = arith.constant 54 : i32
      %lt3A_156 = arith.cmpi slt, %add3A_155, %lt3A : i32
      %convert_element_type3A_157 = arith.extui %lt3A_156 : i1 to i32
      %cond3A_158 = arith.constant 0 : i32
      %cond3A_159 = arith.cmpi ne, %convert_element_type3A_157, %cond3A_158 : i32
      scf.if %cond3A_159 {
        %add3A_200 = arith.constant 2 : i32
        %add3A_201 = arith.addi %mul3A_108, %add3A_200 : i32
        %mul3A_202 = arith.constant 3968 : i32
        %mul3A_203 = arith.muli %add3A_201, %mul3A_202 : i32
        %dma_start3A_204 = arith.constant 0 : i32
        %dma_start3A_205 = tpu.memref_slice %arg7[%dma_start3A_204] : memref<7936xi32, #tpu.memory_space<vmem>> -> memref<3968xi32, #tpu.memory_space<vmem>>
        %dma_start3A_206 = tpu.memref_slice %arg15[%mul3A_203] : memref<214280xi32, #tpu.memory_space<vmem_shared>> -> memref<3968xi32, #tpu.memory_space<vmem_shared>>
        %dma_start3A_207 = arith.constant 0 : i32
        %dma_start3A_208 = tpu.memref_slice %arg7[%dma_start3A_207] : memref<7936xi32, #tpu.memory_space<vmem>> -> memref<3968xi32, #tpu.memory_space<vmem>>
        %dma_start3A_209 = tpu.memref_slice %arg15[%mul3A_203] : memref<214280xi32, #tpu.memory_space<vmem_shared>> -> memref<3968xi32, #tpu.memory_space<vmem_shared>>
        tpu.enqueue_dma source(%dma_start3A_209 : memref<3968xi32, #tpu.memory_space<vmem_shared>>) target(%dma_start3A_208 : memref<3968xi32, #tpu.memory_space<vmem>>) target_semaphore(%arg20 : memref<!tpu.dma_semaphore, #tpu.memory_space<semaphore_mem>>)
      } else {
      }
      %add3A_160 = arith.constant 1 : i32
      %add3A_161 = arith.addi %mul3A_108, %add3A_160 : i32
      %gt3A_162 = arith.constant 0 : i32
      %gt3A_163 = arith.cmpi sgt, %scan3A_106, %gt3A_162 : i32
      %mul3A_164 = arith.constant 3968 : i32
      %mul3A_165 = arith.muli %add3A_161, %mul3A_164 : i32
      %dma_wait3A_166 = arith.constant 3968 : i32
      %dma_wait3A_167 = tpu.memref_slice %arg7[%dma_wait3A_166] : memref<7936xi32, #tpu.memory_space<vmem>> -> memref<3968xi32, #tpu.memory_space<vmem>>
      %dma_wait3A_168 = tpu.memref_slice %arg15[%mul3A_165] : memref<214280xi32, #tpu.memory_space<vmem_shared>> -> memref<3968xi32, #tpu.memory_space<vmem_shared>>
      %dma_wait3A_169 = arith.constant 3968 : i32
      %dma_wait3A_170 = tpu.memref_slice %arg7[%dma_wait3A_169] : memref<7936xi32, #tpu.memory_space<vmem>> -> memref<3968xi32, #tpu.memory_space<vmem>>
      %dma_wait3A_171 = tpu.memref_slice %arg15[%mul3A_165] : memref<214280xi32, #tpu.memory_space<vmem_shared>> -> memref<3968xi32, #tpu.memory_space<vmem_shared>>
      tpu.wait_dma2 semaphore(%arg21 : memref<!tpu.dma_semaphore, #tpu.memory_space<semaphore_mem>>) src(%dma_wait3A_171 : memref<3968xi32, #tpu.memory_space<vmem_shared>>) dst(%dma_wait3A_170 : memref<3968xi32, #tpu.memory_space<vmem>>)
      %convert_element_type3A_172 = arith.extui %gt3A_163 : i1 to i32
      %cond3A_173 = arith.constant 0 : i32
      %cond3A_174 = arith.cmpi ne, %convert_element_type3A_172, %cond3A_173 : i32
      scf.if %cond3A_174 {
        %add3A_200 = arith.constant 0 : i32
        %add3A_201 = arith.addi %mul3A_2, %add3A_200 : i32
        %dma_wait3A_202 = arith.constant 0 : i32
        %dma_wait3A_203 = arith.constant 0 : i32
        %dma_wait3A_204 = arith.constant 0 : i32
        %dma_wait3A_205 = tpu.memref_slice %arg4[%dma_wait3A_202, %add3A_201, %dma_wait3A_203, %dma_wait3A_204] : memref<1x64x432x496xf32, #tpu.memory_space<hbm>> -> memref<1x1x8x496xf32, #tpu.memory_space<hbm>>
        %dma_wait3A_206 = tpu.memref_squeeze %dma_wait3A_205 : memref<1x1x8x496xf32, #tpu.memory_space<hbm>> -> memref<8x496xf32, #tpu.memory_space<hbm>>
        %dma_wait3A_207 = arith.constant 0 : i32
        %dma_wait3A_208 = arith.constant 0 : i32
        %dma_wait3A_209 = tpu.memref_slice %arg4[%dma_wait3A_202, %add3A_201, %dma_wait3A_207, %dma_wait3A_208] : memref<1x64x432x496xf32, #tpu.memory_space<hbm>> -> memref<1x1x8x496xf32, #tpu.memory_space<hbm>>
        %dma_wait3A_210 = tpu.memref_squeeze %dma_wait3A_209 : memref<1x1x8x496xf32, #tpu.memory_space<hbm>> -> memref<8x496xf32, #tpu.memory_space<hbm>>
        tpu.wait_dma2 semaphore(%arg23 : memref<!tpu.dma_semaphore, #tpu.memory_space<semaphore_mem>>) src(%arg12 : memref<8x496xf32, #tpu.memory_space<vmem>>) dst(%dma_wait3A_210 : memref<8x496xf32, #tpu.memory_space<hbm>>)
        %add3A_211 = arith.constant 1 : i32
        %add3A_212 = arith.addi %mul3A_2, %add3A_211 : i32
        %dma_wait3A_213 = arith.constant 0 : i32
        %dma_wait3A_214 = arith.constant 0 : i32
        %dma_wait3A_215 = arith.constant 0 : i32
        %dma_wait3A_216 = tpu.memref_slice %arg4[%dma_wait3A_213, %add3A_212, %dma_wait3A_214, %dma_wait3A_215] : memref<1x64x432x496xf32, #tpu.memory_space<hbm>> -> memref<1x1x8x496xf32, #tpu.memory_space<hbm>>
        %dma_wait3A_217 = tpu.memref_squeeze %dma_wait3A_216 : memref<1x1x8x496xf32, #tpu.memory_space<hbm>> -> memref<8x496xf32, #tpu.memory_space<hbm>>
        %dma_wait3A_218 = arith.constant 0 : i32
        %dma_wait3A_219 = arith.constant 0 : i32
        %dma_wait3A_220 = tpu.memref_slice %arg4[%dma_wait3A_213, %add3A_212, %dma_wait3A_218, %dma_wait3A_219] : memref<1x64x432x496xf32, #tpu.memory_space<hbm>> -> memref<1x1x8x496xf32, #tpu.memory_space<hbm>>
        %dma_wait3A_221 = tpu.memref_squeeze %dma_wait3A_220 : memref<1x1x8x496xf32, #tpu.memory_space<hbm>> -> memref<8x496xf32, #tpu.memory_space<hbm>>
        tpu.wait_dma2 semaphore(%arg25 : memref<!tpu.dma_semaphore, #tpu.memory_space<semaphore_mem>>) src(%arg14 : memref<8x496xf32, #tpu.memory_space<vmem>>) dst(%dma_wait3A_221 : memref<8x496xf32, #tpu.memory_space<hbm>>)
      } else {
      }
      %parallel_loop3A_175 = arith.constant 0 : i32
      %parallel_loop3A_176 = arith.constant 31 : i32
      %parallel_loop3A_177 = arith.constant 1 : i32
      scf.for %parallel_loop3A_200 = %parallel_loop3A_175 to %parallel_loop3A_176 step %parallel_loop3A_177  : i32 {
        %parallel_loop3A_201 = arith.constant 16 : i32
        %parallel_loop3A_202 = arith.muli %parallel_loop3A_200, %parallel_loop3A_201 : i32
        %parallel_loop3A_203 = arith.constant 3968 : i32
        %parallel_loop3A_204 = arith.addi %parallel_loop3A_203, %parallel_loop3A_202 : i32
        %parallel_loop3A_205 = arith.index_cast %parallel_loop3A_204 : i32 to index
        %parallel_loop3A_206 = tpu.vector_load %arg7[%parallel_loop3A_205] {strides = array<i32>} : memref<7936xi32, #tpu.memory_space<vmem>>, vector<16xi32>,
        %parallel_loop3A_207 = tpu.vector_load_idx %arg5[%parallel_loop3A_206] : memref<40016xf32, #tpu.memory_space<vmem>>[vector<16xi32>], vector<16xf32>,
        %parallel_loop3A_208 = arith.constant 16 : i32
        %parallel_loop3A_209 = arith.muli %parallel_loop3A_200, %parallel_loop3A_208 : i32
        %parallel_loop3A_210 = arith.constant 0 : i32
        %parallel_loop3A_211 = arith.index_cast %parallel_loop3A_210 : i32 to index
        %parallel_loop3A_212 = arith.index_cast %parallel_loop3A_209 : i32 to index
        %parallel_loop3A_213 = tpu.vector_load %arg12[%parallel_loop3A_211, %parallel_loop3A_212] {strides = array<i32>} : memref<8x496xf32, #tpu.memory_space<vmem>>, vector<16xf32>,
        tpu.vector_store %arg12[%parallel_loop3A_211, %parallel_loop3A_212], %parallel_loop3A_207 {strides = array<i32>} : memref<8x496xf32, #tpu.memory_space<vmem>>, vector<16xf32>,
        %parallel_loop3A_214 = tpu.vector_load_idx %arg6[%parallel_loop3A_206] : memref<40016xf32, #tpu.memory_space<vmem>>[vector<16xi32>], vector<16xf32>,
        %parallel_loop3A_215 = arith.constant 16 : i32
        %parallel_loop3A_216 = arith.muli %parallel_loop3A_200, %parallel_loop3A_215 : i32
        %parallel_loop3A_217 = arith.constant 0 : i32
        %parallel_loop3A_218 = arith.index_cast %parallel_loop3A_217 : i32 to index
        %parallel_loop3A_219 = arith.index_cast %parallel_loop3A_216 : i32 to index
        %parallel_loop3A_220 = tpu.vector_load %arg14[%parallel_loop3A_218, %parallel_loop3A_219] {strides = array<i32>} : memref<8x496xf32, #tpu.memory_space<vmem>>, vector<16xf32>,
        tpu.vector_store %arg14[%parallel_loop3A_218, %parallel_loop3A_219], %parallel_loop3A_214 {strides = array<i32>} : memref<8x496xf32, #tpu.memory_space<vmem>>, vector<16xf32>,
        %parallel_loop3A_221 = arith.constant 16 : i32
        %parallel_loop3A_222 = arith.muli %parallel_loop3A_200, %parallel_loop3A_221 : i32
        %parallel_loop3A_223 = arith.constant 4464 : i32
        %parallel_loop3A_224 = arith.addi %parallel_loop3A_223, %parallel_loop3A_222 : i32
        %parallel_loop3A_225 = arith.index_cast %parallel_loop3A_224 : i32 to index
        %parallel_loop3A_226 = tpu.vector_load %arg7[%parallel_loop3A_225] {strides = array<i32>} : memref<7936xi32, #tpu.memory_space<vmem>>, vector<16xi32>,
        %parallel_loop3A_227 = tpu.vector_load_idx %arg5[%parallel_loop3A_226] : memref<40016xf32, #tpu.memory_space<vmem>>[vector<16xi32>], vector<16xf32>,
        %parallel_loop3A_228 = arith.constant 16 : i32
        %parallel_loop3A_229 = arith.muli %parallel_loop3A_200, %parallel_loop3A_228 : i32
        %parallel_loop3A_230 = arith.constant 1 : i32
        %parallel_loop3A_231 = arith.index_cast %parallel_loop3A_230 : i32 to index
        %parallel_loop3A_232 = arith.index_cast %parallel_loop3A_229 : i32 to index
        %parallel_loop3A_233 = tpu.vector_load %arg12[%parallel_loop3A_231, %parallel_loop3A_232] {strides = array<i32>} : memref<8x496xf32, #tpu.memory_space<vmem>>, vector<16xf32>,
        tpu.vector_store %arg12[%parallel_loop3A_231, %parallel_loop3A_232], %parallel_loop3A_227 {strides = array<i32>} : memref<8x496xf32, #tpu.memory_space<vmem>>, vector<16xf32>,
        %parallel_loop3A_234 = tpu.vector_load_idx %arg6[%parallel_loop3A_226] : memref<40016xf32, #tpu.memory_space<vmem>>[vector<16xi32>], vector<16xf32>,
        %parallel_loop3A_235 = arith.constant 16 : i32
        %parallel_loop3A_236 = arith.muli %parallel_loop3A_200, %parallel_loop3A_235 : i32
        %parallel_loop3A_237 = arith.constant 1 : i32
        %parallel_loop3A_238 = arith.index_cast %parallel_loop3A_237 : i32 to index
        %parallel_loop3A_239 = arith.index_cast %parallel_loop3A_236 : i32 to index
        %parallel_loop3A_240 = tpu.vector_load %arg14[%parallel_loop3A_238, %parallel_loop3A_239] {strides = array<i32>} : memref<8x496xf32, #tpu.memory_space<vmem>>, vector<16xf32>,
        tpu.vector_store %arg14[%parallel_loop3A_238, %parallel_loop3A_239], %parallel_loop3A_234 {strides = array<i32>} : memref<8x496xf32, #tpu.memory_space<vmem>>, vector<16xf32>,
        %parallel_loop3A_241 = arith.constant 16 : i32
        %parallel_loop3A_242 = arith.muli %parallel_loop3A_200, %parallel_loop3A_241 : i32
        %parallel_loop3A_243 = arith.constant 4960 : i32
        %parallel_loop3A_244 = arith.addi %parallel_loop3A_243, %parallel_loop3A_242 : i32
        %parallel_loop3A_245 = arith.index_cast %parallel_loop3A_244 : i32 to index
        %parallel_loop3A_246 = tpu.vector_load %arg7[%parallel_loop3A_245] {strides = array<i32>} : memref<7936xi32, #tpu.memory_space<vmem>>, vector<16xi32>,
        %parallel_loop3A_247 = tpu.vector_load_idx %arg5[%parallel_loop3A_246] : memref<40016xf32, #tpu.memory_space<vmem>>[vector<16xi32>], vector<16xf32>,
        %parallel_loop3A_248 = arith.constant 16 : i32
        %parallel_loop3A_249 = arith.muli %parallel_loop3A_200, %parallel_loop3A_248 : i32
        %parallel_loop3A_250 = arith.constant 2 : i32
        %parallel_loop3A_251 = arith.index_cast %parallel_loop3A_250 : i32 to index
        %parallel_loop3A_252 = arith.index_cast %parallel_loop3A_249 : i32 to index
        %parallel_loop3A_253 = tpu.vector_load %arg12[%parallel_loop3A_251, %parallel_loop3A_252] {strides = array<i32>} : memref<8x496xf32, #tpu.memory_space<vmem>>, vector<16xf32>,
        tpu.vector_store %arg12[%parallel_loop3A_251, %parallel_loop3A_252], %parallel_loop3A_247 {strides = array<i32>} : memref<8x496xf32, #tpu.memory_space<vmem>>, vector<16xf32>,
        %parallel_loop3A_254 = tpu.vector_load_idx %arg6[%parallel_loop3A_246] : memref<40016xf32, #tpu.memory_space<vmem>>[vector<16xi32>], vector<16xf32>,
        %parallel_loop3A_255 = arith.constant 16 : i32
        %parallel_loop3A_256 = arith.muli %parallel_loop3A_200, %parallel_loop3A_255 : i32
        %parallel_loop3A_257 = arith.constant 2 : i32
        %parallel_loop3A_258 = arith.index_cast %parallel_loop3A_257 : i32 to index
        %parallel_loop3A_259 = arith.index_cast %parallel_loop3A_256 : i32 to index
        %parallel_loop3A_260 = tpu.vector_load %arg14[%parallel_loop3A_258, %parallel_loop3A_259] {strides = array<i32>} : memref<8x496xf32, #tpu.memory_space<vmem>>, vector<16xf32>,
        tpu.vector_store %arg14[%parallel_loop3A_258, %parallel_loop3A_259], %parallel_loop3A_254 {strides = array<i32>} : memref<8x496xf32, #tpu.memory_space<vmem>>, vector<16xf32>,
        %parallel_loop3A_261 = arith.constant 16 : i32
        %parallel_loop3A_262 = arith.muli %parallel_loop3A_200, %parallel_loop3A_261 : i32
        %parallel_loop3A_263 = arith.constant 5456 : i32
        %parallel_loop3A_264 = arith.addi %parallel_loop3A_263, %parallel_loop3A_262 : i32
        %parallel_loop3A_265 = arith.index_cast %parallel_loop3A_264 : i32 to index
        %parallel_loop3A_266 = tpu.vector_load %arg7[%parallel_loop3A_265] {strides = array<i32>} : memref<7936xi32, #tpu.memory_space<vmem>>, vector<16xi32>,
        %parallel_loop3A_267 = tpu.vector_load_idx %arg5[%parallel_loop3A_266] : memref<40016xf32, #tpu.memory_space<vmem>>[vector<16xi32>], vector<16xf32>,
        %parallel_loop3A_268 = arith.constant 16 : i32
        %parallel_loop3A_269 = arith.muli %parallel_loop3A_200, %parallel_loop3A_268 : i32
        %parallel_loop3A_270 = arith.constant 3 : i32
        %parallel_loop3A_271 = arith.index_cast %parallel_loop3A_270 : i32 to index
        %parallel_loop3A_272 = arith.index_cast %parallel_loop3A_269 : i32 to index
        %parallel_loop3A_273 = tpu.vector_load %arg12[%parallel_loop3A_271, %parallel_loop3A_272] {strides = array<i32>} : memref<8x496xf32, #tpu.memory_space<vmem>>, vector<16xf32>,
        tpu.vector_store %arg12[%parallel_loop3A_271, %parallel_loop3A_272], %parallel_loop3A_267 {strides = array<i32>} : memref<8x496xf32, #tpu.memory_space<vmem>>, vector<16xf32>,
        %parallel_loop3A_274 = tpu.vector_load_idx %arg6[%parallel_loop3A_266] : memref<40016xf32, #tpu.memory_space<vmem>>[vector<16xi32>], vector<16xf32>,
        %parallel_loop3A_275 = arith.constant 16 : i32
        %parallel_loop3A_276 = arith.muli %parallel_loop3A_200, %parallel_loop3A_275 : i32
        %parallel_loop3A_277 = arith.constant 3 : i32
        %parallel_loop3A_278 = arith.index_cast %parallel_loop3A_277 : i32 to index
        %parallel_loop3A_279 = arith.index_cast %parallel_loop3A_276 : i32 to index
        %parallel_loop3A_280 = tpu.vector_load %arg14[%parallel_loop3A_278, %parallel_loop3A_279] {strides = array<i32>} : memref<8x496xf32, #tpu.memory_space<vmem>>, vector<16xf32>,
        tpu.vector_store %arg14[%parallel_loop3A_278, %parallel_loop3A_279], %parallel_loop3A_274 {strides = array<i32>} : memref<8x496xf32, #tpu.memory_space<vmem>>, vector<16xf32>,
        %parallel_loop3A_281 = arith.constant 16 : i32
        %parallel_loop3A_282 = arith.muli %parallel_loop3A_200, %parallel_loop3A_281 : i32
        %parallel_loop3A_283 = arith.constant 5952 : i32
        %parallel_loop3A_284 = arith.addi %parallel_loop3A_283, %parallel_loop3A_282 : i32
        %parallel_loop3A_285 = arith.index_cast %parallel_loop3A_284 : i32 to index
        %parallel_loop3A_286 = tpu.vector_load %arg7[%parallel_loop3A_285] {strides = array<i32>} : memref<7936xi32, #tpu.memory_space<vmem>>, vector<16xi32>,
        %parallel_loop3A_287 = tpu.vector_load_idx %arg5[%parallel_loop3A_286] : memref<40016xf32, #tpu.memory_space<vmem>>[vector<16xi32>], vector<16xf32>,
        %parallel_loop3A_288 = arith.constant 16 : i32
        %parallel_loop3A_289 = arith.muli %parallel_loop3A_200, %parallel_loop3A_288 : i32
        %parallel_loop3A_290 = arith.constant 4 : i32
        %parallel_loop3A_291 = arith.index_cast %parallel_loop3A_290 : i32 to index
        %parallel_loop3A_292 = arith.index_cast %parallel_loop3A_289 : i32 to index
        %parallel_loop3A_293 = tpu.vector_load %arg12[%parallel_loop3A_291, %parallel_loop3A_292] {strides = array<i32>} : memref<8x496xf32, #tpu.memory_space<vmem>>, vector<16xf32>,
        tpu.vector_store %arg12[%parallel_loop3A_291, %parallel_loop3A_292], %parallel_loop3A_287 {strides = array<i32>} : memref<8x496xf32, #tpu.memory_space<vmem>>, vector<16xf32>,
        %parallel_loop3A_294 = tpu.vector_load_idx %arg6[%parallel_loop3A_286] : memref<40016xf32, #tpu.memory_space<vmem>>[vector<16xi32>], vector<16xf32>,
        %parallel_loop3A_295 = arith.constant 16 : i32
        %parallel_loop3A_296 = arith.muli %parallel_loop3A_200, %parallel_loop3A_295 : i32
        %parallel_loop3A_297 = arith.constant 4 : i32
        %parallel_loop3A_298 = arith.index_cast %parallel_loop3A_297 : i32 to index
        %parallel_loop3A_299 = arith.index_cast %parallel_loop3A_296 : i32 to index
        %parallel_loop3A_300 = tpu.vector_load %arg14[%parallel_loop3A_298, %parallel_loop3A_299] {strides = array<i32>} : memref<8x496xf32, #tpu.memory_space<vmem>>, vector<16xf32>,
        tpu.vector_store %arg14[%parallel_loop3A_298, %parallel_loop3A_299], %parallel_loop3A_294 {strides = array<i32>} : memref<8x496xf32, #tpu.memory_space<vmem>>, vector<16xf32>,
        %parallel_loop3A_301 = arith.constant 16 : i32
        %parallel_loop3A_302 = arith.muli %parallel_loop3A_200, %parallel_loop3A_301 : i32
        %parallel_loop3A_303 = arith.constant 6448 : i32
        %parallel_loop3A_304 = arith.addi %parallel_loop3A_303, %parallel_loop3A_302 : i32
        %parallel_loop3A_305 = arith.index_cast %parallel_loop3A_304 : i32 to index
        %parallel_loop3A_306 = tpu.vector_load %arg7[%parallel_loop3A_305] {strides = array<i32>} : memref<7936xi32, #tpu.memory_space<vmem>>, vector<16xi32>,
        %parallel_loop3A_307 = tpu.vector_load_idx %arg5[%parallel_loop3A_306] : memref<40016xf32, #tpu.memory_space<vmem>>[vector<16xi32>], vector<16xf32>,
        %parallel_loop3A_308 = arith.constant 16 : i32
        %parallel_loop3A_309 = arith.muli %parallel_loop3A_200, %parallel_loop3A_308 : i32
        %parallel_loop3A_310 = arith.constant 5 : i32
        %parallel_loop3A_311 = arith.index_cast %parallel_loop3A_310 : i32 to index
        %parallel_loop3A_312 = arith.index_cast %parallel_loop3A_309 : i32 to index
        %parallel_loop3A_313 = tpu.vector_load %arg12[%parallel_loop3A_311, %parallel_loop3A_312] {strides = array<i32>} : memref<8x496xf32, #tpu.memory_space<vmem>>, vector<16xf32>,
        tpu.vector_store %arg12[%parallel_loop3A_311, %parallel_loop3A_312], %parallel_loop3A_307 {strides = array<i32>} : memref<8x496xf32, #tpu.memory_space<vmem>>, vector<16xf32>,
        %parallel_loop3A_314 = tpu.vector_load_idx %arg6[%parallel_loop3A_306] : memref<40016xf32, #tpu.memory_space<vmem>>[vector<16xi32>], vector<16xf32>,
        %parallel_loop3A_315 = arith.constant 16 : i32
        %parallel_loop3A_316 = arith.muli %parallel_loop3A_200, %parallel_loop3A_315 : i32
        %parallel_loop3A_317 = arith.constant 5 : i32
        %parallel_loop3A_318 = arith.index_cast %parallel_loop3A_317 : i32 to index
        %parallel_loop3A_319 = arith.index_cast %parallel_loop3A_316 : i32 to index
        %parallel_loop3A_320 = tpu.vector_load %arg14[%parallel_loop3A_318, %parallel_loop3A_319] {strides = array<i32>} : memref<8x496xf32, #tpu.memory_space<vmem>>, vector<16xf32>,
        tpu.vector_store %arg14[%parallel_loop3A_318, %parallel_loop3A_319], %parallel_loop3A_314 {strides = array<i32>} : memref<8x496xf32, #tpu.memory_space<vmem>>, vector<16xf32>,
        %parallel_loop3A_321 = arith.constant 16 : i32
        %parallel_loop3A_322 = arith.muli %parallel_loop3A_200, %parallel_loop3A_321 : i32
        %parallel_loop3A_323 = arith.constant 6944 : i32
        %parallel_loop3A_324 = arith.addi %parallel_loop3A_323, %parallel_loop3A_322 : i32
        %parallel_loop3A_325 = arith.index_cast %parallel_loop3A_324 : i32 to index
        %parallel_loop3A_326 = tpu.vector_load %arg7[%parallel_loop3A_325] {strides = array<i32>} : memref<7936xi32, #tpu.memory_space<vmem>>, vector<16xi32>,
        %parallel_loop3A_327 = tpu.vector_load_idx %arg5[%parallel_loop3A_326] : memref<40016xf32, #tpu.memory_space<vmem>>[vector<16xi32>], vector<16xf32>,
        %parallel_loop3A_328 = arith.constant 16 : i32
        %parallel_loop3A_329 = arith.muli %parallel_loop3A_200, %parallel_loop3A_328 : i32
        %parallel_loop3A_330 = arith.constant 6 : i32
        %parallel_loop3A_331 = arith.index_cast %parallel_loop3A_330 : i32 to index
        %parallel_loop3A_332 = arith.index_cast %parallel_loop3A_329 : i32 to index
        %parallel_loop3A_333 = tpu.vector_load %arg12[%parallel_loop3A_331, %parallel_loop3A_332] {strides = array<i32>} : memref<8x496xf32, #tpu.memory_space<vmem>>, vector<16xf32>,
        tpu.vector_store %arg12[%parallel_loop3A_331, %parallel_loop3A_332], %parallel_loop3A_327 {strides = array<i32>} : memref<8x496xf32, #tpu.memory_space<vmem>>, vector<16xf32>,
        %parallel_loop3A_334 = tpu.vector_load_idx %arg6[%parallel_loop3A_326] : memref<40016xf32, #tpu.memory_space<vmem>>[vector<16xi32>], vector<16xf32>,
        %parallel_loop3A_335 = arith.constant 16 : i32
        %parallel_loop3A_336 = arith.muli %parallel_loop3A_200, %parallel_loop3A_335 : i32
        %parallel_loop3A_337 = arith.constant 6 : i32
        %parallel_loop3A_338 = arith.index_cast %parallel_loop3A_337 : i32 to index
        %parallel_loop3A_339 = arith.index_cast %parallel_loop3A_336 : i32 to index
        %parallel_loop3A_340 = tpu.vector_load %arg14[%parallel_loop3A_338, %parallel_loop3A_339] {strides = array<i32>} : memref<8x496xf32, #tpu.memory_space<vmem>>, vector<16xf32>,
        tpu.vector_store %arg14[%parallel_loop3A_338, %parallel_loop3A_339], %parallel_loop3A_334 {strides = array<i32>} : memref<8x496xf32, #tpu.memory_space<vmem>>, vector<16xf32>,
        %parallel_loop3A_341 = arith.constant 16 : i32
        %parallel_loop3A_342 = arith.muli %parallel_loop3A_200, %parallel_loop3A_341 : i32
        %parallel_loop3A_343 = arith.constant 7440 : i32
        %parallel_loop3A_344 = arith.addi %parallel_loop3A_343, %parallel_loop3A_342 : i32
        %parallel_loop3A_345 = arith.index_cast %parallel_loop3A_344 : i32 to index
        %parallel_loop3A_346 = tpu.vector_load %arg7[%parallel_loop3A_345] {strides = array<i32>} : memref<7936xi32, #tpu.memory_space<vmem>>, vector<16xi32>,
        %parallel_loop3A_347 = tpu.vector_load_idx %arg5[%parallel_loop3A_346] : memref<40016xf32, #tpu.memory_space<vmem>>[vector<16xi32>], vector<16xf32>,
        %parallel_loop3A_348 = arith.constant 16 : i32
        %parallel_loop3A_349 = arith.muli %parallel_loop3A_200, %parallel_loop3A_348 : i32
        %parallel_loop3A_350 = arith.constant 7 : i32
        %parallel_loop3A_351 = arith.index_cast %parallel_loop3A_350 : i32 to index
        %parallel_loop3A_352 = arith.index_cast %parallel_loop3A_349 : i32 to index
        %parallel_loop3A_353 = tpu.vector_load %arg12[%parallel_loop3A_351, %parallel_loop3A_352] {strides = array<i32>} : memref<8x496xf32, #tpu.memory_space<vmem>>, vector<16xf32>,
        tpu.vector_store %arg12[%parallel_loop3A_351, %parallel_loop3A_352], %parallel_loop3A_347 {strides = array<i32>} : memref<8x496xf32, #tpu.memory_space<vmem>>, vector<16xf32>,
        %parallel_loop3A_354 = tpu.vector_load_idx %arg6[%parallel_loop3A_346] : memref<40016xf32, #tpu.memory_space<vmem>>[vector<16xi32>], vector<16xf32>,
        %parallel_loop3A_355 = arith.constant 16 : i32
        %parallel_loop3A_356 = arith.muli %parallel_loop3A_200, %parallel_loop3A_355 : i32
        %parallel_loop3A_357 = arith.constant 7 : i32
        %parallel_loop3A_358 = arith.index_cast %parallel_loop3A_357 : i32 to index
        %parallel_loop3A_359 = arith.index_cast %parallel_loop3A_356 : i32 to index
        %parallel_loop3A_360 = tpu.vector_load %arg14[%parallel_loop3A_358, %parallel_loop3A_359] {strides = array<i32>} : memref<8x496xf32, #tpu.memory_space<vmem>>, vector<16xf32>,
        tpu.vector_store %arg14[%parallel_loop3A_358, %parallel_loop3A_359], %parallel_loop3A_354 {strides = array<i32>} : memref<8x496xf32, #tpu.memory_space<vmem>>, vector<16xf32>,
      } {sc.loop_unroll_factor = 2 : i64, sc.parallel_access}
      %add3A_178 = arith.constant 0 : i32
      %add3A_179 = arith.addi %mul3A_2, %add3A_178 : i32
      %mul3A_180 = arith.constant 8 : i32
      %mul3A_181 = arith.muli %add3A_161, %mul3A_180 : i32
      %dma_start3A_182 = arith.constant 0 : i32
      %dma_start3A_183 = arith.constant 0 : i32
      %dma_start3A_184 = tpu.memref_slice %arg4[%dma_start3A_182, %add3A_179, %mul3A_181, %dma_start3A_183] : memref<1x64x432x496xf32, #tpu.memory_space<hbm>> -> memref<1x1x8x496xf32, #tpu.memory_space<hbm>>
      %dma_start3A_185 = tpu.memref_squeeze %dma_start3A_184 : memref<1x1x8x496xf32, #tpu.memory_space<hbm>> -> memref<8x496xf32, #tpu.memory_space<hbm>>
      %dma_start3A_186 = arith.constant 0 : i32
      %dma_start3A_187 = tpu.memref_slice %arg4[%dma_start3A_182, %add3A_179, %mul3A_181, %dma_start3A_186] : memref<1x64x432x496xf32, #tpu.memory_space<hbm>> -> memref<1x1x8x496xf32, #tpu.memory_space<hbm>>
      %dma_start3A_188 = tpu.memref_squeeze %dma_start3A_187 : memref<1x1x8x496xf32, #tpu.memory_space<hbm>> -> memref<8x496xf32, #tpu.memory_space<hbm>>
      tpu.enqueue_dma source(%arg12 : memref<8x496xf32, #tpu.memory_space<vmem>>) target(%dma_start3A_188 : memref<8x496xf32, #tpu.memory_space<hbm>>) target_semaphore(%arg23 : memref<!tpu.dma_semaphore, #tpu.memory_space<semaphore_mem>>)
      %add3A_189 = arith.constant 1 : i32
      %add3A_190 = arith.addi %mul3A_2, %add3A_189 : i32
      %mul3A_191 = arith.constant 8 : i32
      %mul3A_192 = arith.muli %add3A_161, %mul3A_191 : i32
      %dma_start3A_193 = arith.constant 0 : i32
      %dma_start3A_194 = arith.constant 0 : i32
      %dma_start3A_195 = tpu.memref_slice %arg4[%dma_start3A_193, %add3A_190, %mul3A_192, %dma_start3A_194] : memref<1x64x432x496xf32, #tpu.memory_space<hbm>> -> memref<1x1x8x496xf32, #tpu.memory_space<hbm>>
      %dma_start3A_196 = tpu.memref_squeeze %dma_start3A_195 : memref<1x1x8x496xf32, #tpu.memory_space<hbm>> -> memref<8x496xf32, #tpu.memory_space<hbm>>
      %dma_start3A_197 = arith.constant 0 : i32
      %dma_start3A_198 = tpu.memref_slice %arg4[%dma_start3A_193, %add3A_190, %mul3A_192, %dma_start3A_197] : memref<1x64x432x496xf32, #tpu.memory_space<hbm>> -> memref<1x1x8x496xf32, #tpu.memory_space<hbm>>
      %dma_start3A_199 = tpu.memref_squeeze %dma_start3A_198 : memref<1x1x8x496xf32, #tpu.memory_space<hbm>> -> memref<8x496xf32, #tpu.memory_space<hbm>>
      tpu.enqueue_dma source(%arg14 : memref<8x496xf32, #tpu.memory_space<vmem>>) target(%dma_start3A_199 : memref<8x496xf32, #tpu.memory_space<hbm>>) target_semaphore(%arg25 : memref<!tpu.dma_semaphore, #tpu.memory_space<semaphore_mem>>)
    }
    %scan3A_61 = arith.constant 27 : i32
    %add3A_62 = arith.constant 0 : i32
    %add3A_63 = arith.addi %mul3A_2, %add3A_62 : i32
    %dma_wait3A_64 = arith.constant 0 : i32
    %dma_wait3A_65 = arith.constant 0 : i32
    %dma_wait3A_66 = arith.constant 0 : i32
    %dma_wait3A_67 = tpu.memref_slice %arg4[%dma_wait3A_64, %add3A_63, %dma_wait3A_65, %dma_wait3A_66] : memref<1x64x432x496xf32, #tpu.memory_space<hbm>> -> memref<1x1x8x496xf32, #tpu.memory_space<hbm>>
    %dma_wait3A_68 = tpu.memref_squeeze %dma_wait3A_67 : memref<1x1x8x496xf32, #tpu.memory_space<hbm>> -> memref<8x496xf32, #tpu.memory_space<hbm>>
    %dma_wait3A_69 = arith.constant 0 : i32
    %dma_wait3A_70 = arith.constant 0 : i32
    %dma_wait3A_71 = tpu.memref_slice %arg4[%dma_wait3A_64, %add3A_63, %dma_wait3A_69, %dma_wait3A_70] : memref<1x64x432x496xf32, #tpu.memory_space<hbm>> -> memref<1x1x8x496xf32, #tpu.memory_space<hbm>>
    %dma_wait3A_72 = tpu.memref_squeeze %dma_wait3A_71 : memref<1x1x8x496xf32, #tpu.memory_space<hbm>> -> memref<8x496xf32, #tpu.memory_space<hbm>>
    tpu.wait_dma2 semaphore(%arg22 : memref<!tpu.dma_semaphore, #tpu.memory_space<semaphore_mem>>) src(%arg11 : memref<8x496xf32, #tpu.memory_space<vmem>>) dst(%dma_wait3A_72 : memref<8x496xf32, #tpu.memory_space<hbm>>)
    %add3A_73 = arith.constant 1 : i32
    %add3A_74 = arith.addi %mul3A_2, %add3A_73 : i32
    %dma_wait3A_75 = arith.constant 0 : i32
    %dma_wait3A_76 = arith.constant 0 : i32
    %dma_wait3A_77 = arith.constant 0 : i32
    %dma_wait3A_78 = tpu.memref_slice %arg4[%dma_wait3A_75, %add3A_74, %dma_wait3A_76, %dma_wait3A_77] : memref<1x64x432x496xf32, #tpu.memory_space<hbm>> -> memref<1x1x8x496xf32, #tpu.memory_space<hbm>>
    %dma_wait3A_79 = tpu.memref_squeeze %dma_wait3A_78 : memref<1x1x8x496xf32, #tpu.memory_space<hbm>> -> memref<8x496xf32, #tpu.memory_space<hbm>>
    %dma_wait3A_80 = arith.constant 0 : i32
    %dma_wait3A_81 = arith.constant 0 : i32
    %dma_wait3A_82 = tpu.memref_slice %arg4[%dma_wait3A_75, %add3A_74, %dma_wait3A_80, %dma_wait3A_81] : memref<1x64x432x496xf32, #tpu.memory_space<hbm>> -> memref<1x1x8x496xf32, #tpu.memory_space<hbm>>
    %dma_wait3A_83 = tpu.memref_squeeze %dma_wait3A_82 : memref<1x1x8x496xf32, #tpu.memory_space<hbm>> -> memref<8x496xf32, #tpu.memory_space<hbm>>
    tpu.wait_dma2 semaphore(%arg24 : memref<!tpu.dma_semaphore, #tpu.memory_space<semaphore_mem>>) src(%arg13 : memref<8x496xf32, #tpu.memory_space<vmem>>) dst(%dma_wait3A_83 : memref<8x496xf32, #tpu.memory_space<hbm>>)
    %add3A_84 = arith.constant 0 : i32
    %add3A_85 = arith.addi %mul3A_2, %add3A_84 : i32
    %dma_wait3A_86 = arith.constant 0 : i32
    %dma_wait3A_87 = arith.constant 0 : i32
    %dma_wait3A_88 = arith.constant 0 : i32
    %dma_wait3A_89 = tpu.memref_slice %arg4[%dma_wait3A_86, %add3A_85, %dma_wait3A_87, %dma_wait3A_88] : memref<1x64x432x496xf32, #tpu.memory_space<hbm>> -> memref<1x1x8x496xf32, #tpu.memory_space<hbm>>
    %dma_wait3A_90 = tpu.memref_squeeze %dma_wait3A_89 : memref<1x1x8x496xf32, #tpu.memory_space<hbm>> -> memref<8x496xf32, #tpu.memory_space<hbm>>
    %dma_wait3A_91 = arith.constant 0 : i32
    %dma_wait3A_92 = arith.constant 0 : i32
    %dma_wait3A_93 = tpu.memref_slice %arg4[%dma_wait3A_86, %add3A_85, %dma_wait3A_91, %dma_wait3A_92] : memref<1x64x432x496xf32, #tpu.memory_space<hbm>> -> memref<1x1x8x496xf32, #tpu.memory_space<hbm>>
    %dma_wait3A_94 = tpu.memref_squeeze %dma_wait3A_93 : memref<1x1x8x496xf32, #tpu.memory_space<hbm>> -> memref<8x496xf32, #tpu.memory_space<hbm>>
    tpu.wait_dma2 semaphore(%arg23 : memref<!tpu.dma_semaphore, #tpu.memory_space<semaphore_mem>>) src(%arg12 : memref<8x496xf32, #tpu.memory_space<vmem>>) dst(%dma_wait3A_94 : memref<8x496xf32, #tpu.memory_space<hbm>>)
    %add3A_95 = arith.constant 1 : i32
    %add3A_96 = arith.addi %mul3A_2, %add3A_95 : i32
    %dma_wait3A_97 = arith.constant 0 : i32
    %dma_wait3A_98 = arith.constant 0 : i32
    %dma_wait3A_99 = arith.constant 0 : i32
    %dma_wait3A_100 = tpu.memref_slice %arg4[%dma_wait3A_97, %add3A_96, %dma_wait3A_98, %dma_wait3A_99] : memref<1x64x432x496xf32, #tpu.memory_space<hbm>> -> memref<1x1x8x496xf32, #tpu.memory_space<hbm>>
    %dma_wait3A_101 = tpu.memref_squeeze %dma_wait3A_100 : memref<1x1x8x496xf32, #tpu.memory_space<hbm>> -> memref<8x496xf32, #tpu.memory_space<hbm>>
    %dma_wait3A_102 = arith.constant 0 : i32
    %dma_wait3A_103 = arith.constant 0 : i32
    %dma_wait3A_104 = tpu.memref_slice %arg4[%dma_wait3A_97, %add3A_96, %dma_wait3A_102, %dma_wait3A_103] : memref<1x64x432x496xf32, #tpu.memory_space<hbm>> -> memref<1x1x8x496xf32, #tpu.memory_space<hbm>>
    %dma_wait3A_105 = tpu.memref_squeeze %dma_wait3A_104 : memref<1x1x8x496xf32, #tpu.memory_space<hbm>> -> memref<8x496xf32, #tpu.memory_space<hbm>>
    tpu.wait_dma2 semaphore(%arg25 : memref<!tpu.dma_semaphore, #tpu.memory_space<semaphore_mem>>) src(%arg14 : memref<8x496xf32, #tpu.memory_space<vmem>>) dst(%dma_wait3A_105 : memref<8x496xf32, #tpu.memory_space<hbm>>)
    return
  }
}

</mosaic_0001>

<sc_bundles>
// kernel: kernel.3.cloned.1.call-start
scs
__scs_entry_jumppad:
0x0: {  	(pc) =	sbr.rel $0x88, $3  }
0x1: {  	(tag) =	ssettag $0x0;
	lr =	simm.s32 $0x1  }
0x2: {  	[smem:$0x3F9F] =	sst lr;
	_ =	strace $0xD0000000  }
0x3: {  	_ = 	snop  }
0x4: {  	_ = 	snop  }
0x5: {  	_ = 	snop  }
0x6: {  	_ = 	snop  }
0x7: {  	_ = 	snop  }
__scs_overlays_trampoline_lowered:
0x8: {  	[smem:$0x3FAE] =	sst s0  }
0x9: {  	[smem:$0x3FAF] =	sst s1  }
0xa: {  	[smem:$0x3FB0] =	sst s2  }
0xb: {  	[smem:$0x3FB1] =	sst s3  }
0xc: {  	[smem:$0x3FB2] =	sst s4  }
0xd: {  	[smem:$0x3FB3] =	sst s5  }
0xe: {  	[smem:$0x3FB4] =	sst s6  }
0xf: {  	[smem:$0x3FB5] =	sst s7  }
0x10: {  	[smem:$0x3FB6] =	sst s8  }
0x11: {  	[smem:$0x3FB7] =	sst s9;
	s0 =	simm.s32 @!p0 $0x0  }
0x12: {  	s1 =	sld [smem:$0x3F9D];
	s0 =	simm.s32 @p0 $0x1  }
0x13: {  	[smem:$0x3FB8] =	sst s0;
	s0 =	simm.s32 @!p1 $0x0  }
0x14: {  	s2 =	sld [smem:$0x3F9C];
	s0 =	simm.s32 @p1 $0x1  }
0x15: {  	[smem:$0x3FB9] =	sst s0;
	s0 =	simm.s32 @!p2 $0x0  }
0x16: {  	s3 =	sld [smem:$0x3FDB];
	s0 =	simm.s32 @p2 $0x1  }
0x17: {  	s4 =	simm.s32 $0x1BF5;
	[smem:$0x3FBB] =	sst s0  }
0x18: {  	s0 =	sld [smem:$0x3F9E];
	_ =	swait.ge [sflag:s4], $0x0  }
0x19: {  	s7 =	sld [smem:$0x3F9F]  }
0x1a: {  	s8 =	sadd.s32 $0xFFFFE003, lr  }
0x1b: {  	s9 =	sadd.s32 $0xFFFFFEF7, lr;
	s5 =	simm.s32 $0xFFFFFFFF;
	p2 =	slt.u32 s8, $0xFFFFF086  }
0x1c: {  	p1 =	slt.u32 s9, $0xF7A;
	s5 =	simm.s32 @!p2 $0x0  }
0x1d: {  	s5 =	simm.s32 @p1 $0x1;
	p0 =	seq.s32 s7, s2  }
0x1e: {  	s7 =	smul.u32 @!p0 $0xF7A, s2;
	p2 =	seq.s32 @!p0 s5, $0x0  }
0x1f: {  	s9 =	smul.u32 $0xF7A, s1;
	s8 =	simm.s32 @!p0 $0x1BF5;
	p2 =	por !p2, p0  }
0x20: {  	[sflag:s8] =	ssyncset.s32 @!p0 $0xFFFFF086;
	s6 =	sadd.s32 @!p0 s3, s7;
	s7 =	simm.s32 @!p0 $0x108  }
0x21: {  	s3 =	sadd.s32 s3, s9;
	s6 =	sadd.s32 @!p0 $0x88, s6;
	s7 =	simm.s32 @p2 $0x1082  }
0x22: {  	[simem:s7], [sflag:s8] =	dma.local @!p0 [hbm:s6], $0xF7A  }
0x23: {  	s9 =	sor.u32 $0xD0000000, s2;
	s6 =	simm.s32 $0x108;
	_ =	swait.ge @!p0 [sflag:s8], $0x0  }
0x24: {  	s3 =	sadd.s32 $0x88, s3;
	s6 =	simm.s32 @!p1 $0x1082;
	[sflag:s4] =	ssyncset.s32 $0xFFFFF086  }
0x25: {  	[simem:s6], [sflag:s4] =	dma.local [hbm:s3], $0xF7A  }
0x26: {  	[smem:$0x3F9F] =	sst s1;
	(tag) =	ssettag s2;
	_ =	strace s9  }
0x27: {  	s1 =	sld [smem:$0x3FAF]  }
0x28: {  	s2 =	sld [smem:$0x3FB0]  }
0x29: {  	s4 =	sld [smem:$0x3FB2]  }
0x2a: {  	p0 =	seq.s32 s5, $0x0;
	s5 =	sld [smem:$0x3FB3]  }
0x2b: {  	s6 =	sld [smem:$0x3FB4]  }
0x2c: {  	s7 =	sld [smem:$0x3FB5]  }
0x2d: {  	s3 =	simm.s32 $0x108;
	s8 =	sld [smem:$0x3FB6]  }
0x2e: {  	s3 =	simm.s32 @!p0 $0x1082;
	s9 =	sld [smem:$0x3FB7]  }
0x2f: {  	lr =	sadd.s32 s0, s3;
	s0 =	sld [smem:$0x3FAE]  }
0x30: {  	s3 =	sld [smem:$0x3FB1]  }
0x31: {  	[smem:$0x3FBA] =	sst s10  }
0x32: {  	s10 =	sld [smem:$0x3FB8];
	_ =	sdelay $0x3  }
0x33: {  	p0 =	seq.s32 s10, $0x1;
	s10 =	sld [smem:$0x3FBA];
	_ =	sdelay $0x3  }
0x34: {  	[smem:$0x3FBA] =	sst s10  }
0x35: {  	s10 =	sld [smem:$0x3FB9];
	_ =	sdelay $0x3  }
0x36: {  	p1 =	seq.s32 s10, $0x1;
	s10 =	sld [smem:$0x3FBA];
	_ =	sdelay $0x3  }
0x37: {  	[smem:$0x3FBA] =	sst s10  }
0x38: {  	s10 =	sld [smem:$0x3FBB]  }
0x39: {  	_ = 	snop;
	(pc) =	sbr.ind lr, $3  }
0x3a: {  	_ = 	snop  }
0x3b: {  	_ = 	snop  }
0x3c: {  	p2 =	seq.s32 s10, $0x1;
	s10 =	sld [smem:$0x3FBA]  }
0x3d: {  	_ =	shalt  }
0x3e: {  	_ =	shalt  }
0x3f: {  	_ =	shalt  }
0x40: {  	_ =	shalt  }
0x41: {  	_ =	shalt  }
0x42: {  	_ =	shalt  }
0x43: {  	_ =	shalt  }
0x44: {  	_ =	shalt  }
0x45: {  	_ =	shalt  }
0x46: {  	_ =	shalt  }
0x47: {  	_ =	shalt  }
0x48: {  	_ =	shalt  }
0x49: {  	_ =	shalt  }
0x4a: {  	_ =	shalt  }
0x4b: {  	_ =	shalt  }
0x4c: {  	_ =	shalt  }
0x4d: {  	_ =	shalt  }
0x4e: {  	_ =	shalt  }
0x4f: {  	_ =	shalt  }
0x50: {  	_ =	shalt  }
0x51: {  	_ =	shalt  }
0x52: {  	_ =	shalt  }
0x53: {  	_ =	shalt  }
0x54: {  	_ =	shalt  }
0x55: {  	_ =	shalt  }
0x56: {  	_ =	shalt  }
0x57: {  	_ =	shalt  }
0x58: {  	_ =	shalt  }
0x59: {  	_ =	shalt  }
0x5a: {  	_ =	shalt  }
0x5b: {  	_ =	shalt  }
0x5c: {  	_ =	shalt  }
0x5d: {  	_ =	shalt  }
0x5e: {  	_ =	shalt  }
0x5f: {  	_ =	shalt  }
0x60: {  	_ =	shalt  }
0x61: {  	_ =	shalt  }
0x62: {  	_ =	shalt  }
0x63: {  	_ =	shalt  }
0x64: {  	_ =	shalt  }
0x65: {  	_ =	shalt  }
0x66: {  	_ =	shalt  }
0x67: {  	_ =	shalt  }
0x68: {  	_ =	shalt  }
0x69: {  	_ =	shalt  }
0x6a: {  	_ =	shalt  }
0x6b: {  	_ =	shalt  }
0x6c: {  	_ =	shalt  }
0x6d: {  	_ =	shalt  }
0x6e: {  	_ =	shalt  }
0x6f: {  	_ =	shalt  }
0x70: {  	_ =	shalt  }
0x71: {  	_ =	shalt  }
0x72: {  	_ =	shalt  }
0x73: {  	_ =	shalt  }
0x74: {  	_ =	shalt  }
0x75: {  	_ =	shalt  }
0x76: {  	_ =	shalt  }
0x77: {  	_ =	shalt  }
0x78: {  	_ =	shalt  }
0x79: {  	_ =	shalt  }
0x7a: {  	_ =	shalt  }
0x7b: {  	_ =	shalt  }
0x7c: {  	_ =	shalt  }
0x7d: {  	_ =	shalt  }
0x7e: {  	_ =	shalt  }
0x7f: {  	_ =	shalt  }
0x80: {  	_ =	shalt  }
0x81: {  	_ =	shalt  }
0x82: {  	_ =	shalt  }
0x83: {  	_ =	shalt  }
0x84: {  	_ =	shalt  }
0x85: {  	_ =	shalt  }
0x86: {  	_ =	shalt  }
0x87: {  	_ =	shalt  }
.Lfunc_end0:
.L_simem_size_0:
called_computation_lowered:
.L_overlay_start_0:
0x88: {  	s2 =	sld [smem:$0x3FD9]  }
0x89: {  	s3 =	sld [smem:$0x3FFE];
	_ =	sdelay $0x1  }
0x8a: {  	s1 =	srdreg.scid  }
0x8b: {  	s0 =	sand.u32 $0x1, s1  }
0x8c: {  	s17 =	sshll.u32 s0, $0xA;
	s2 =	sadd.s32 s3, s2  }
0x8d: {  	s2 =	sadd.s32 s2, s17  }
0x8e: {  	[smem:$0x3FC6] =	sst s2  }
0x8f: {  	_ = 	snop  }
0x90: {  	s2 =	sld [smem:$0x3FD0];
	(tm) =	ssettm $0x1  }
0x91: {  	s18 =	sld [smem:$0x3FFB];
	_ =	sdelay $0x3  }
0x92: {  	_ =	strace s18  }
0x93: {  	s3 =	sld [smem:$0x3FFC];
	_ =	sdelay $0x3  }
0x94: {  	_ =	strace s3  }
0x95: {  	s3 =	sld [smem:$0x3FFD];
	_ =	sdelay $0x3  }
0x96: {  	_ =	strace s3  }
0x97: {  	_ =	strace $0x8FFFFFFF  }
0x98: {  	s19 =	sld [smem:$0x3FDB];
	_ =	sdelay $0x1  }
0x99: {  	s4 =	simm.s32 $_scs_section_size  }
0x9a: {  	s5 =	simm.s32 $_size__tile_overlayer_lowered;
	s6 =	simm.s32 $_tile_overlayer_lowered  }
0x9b: {  	s22 =	simm.s32 $0x1BFF;
	s21 =	sshll.u32 s6, $0x1;
	s3 =	sadd.s32 s4, s19  }
0x9c: {  	s7 =	simm.s32 $0x0;
	s20 =	sshll.u32 s5, $0x1;
	s5 =	sadd.s32 s21, s3  }
0x9d: {  	[timem:s7], [sflag:s22] =	dma.local [hbm:s5], s20  }
0x9e: {  	_ =	swait.ge [sflag:s22], s20  }
0x9f: {  	s4 =	ssub.s32 $0x0, s20;
	[sflag:s22] =	ssyncset.done $0x0  }
0xa0: {  	[sflag:s22] =	ssyncadd.s32 s4;
	_ =	sdelay $0x1  }
0xa1: {  	s23 =	simm.s32 $0x1B8B  }
0xa2: {  	_ =	swait.ge [sflag:s23], $0x1  }
0xa3: {  	[sflag:s23] =	ssyncset.done $0x0  }
0xa4: {  	s25 =	simm.s32 $0x1B8E;
	s24 =	sld [smem:$0x3FFE];
	[sflag:s23] =	ssyncadd.s32 $0xFFFFFFFF  }
0xa5: {  	s26 =	simm.s32 $execute0_lowered;
	[smem:$0x3FD2] =	sst s25  }
0xa6: {  	s5 =	sshll.u32 s26, $0x1;
	_ =	strace $0x80000046;
	[dreg:$0x1] =	wrdreg $0xFFFFFFFF  }
0xa7: {  	s28 =	simm.s32 $_size_execute0_lowered;
	s3 =	sadd.s32 s3, s5;
	[dreg:$0x0] =	wrdreg $0x0  }
0xa8: {  	s5 =	sshll.u32 s28, $0x1;
	[dreg:$0x2] =	wrdreg s3  }
0xa9: {  	[dreg:$0x3] =	wrdreg s5  }
0xaa: {  	[dreg:$0x4] =	wrdreg $0xC0  }
0xab: {  	_ =	task [dreg:s7], $0x5FFFF  }
0xac: {  	[dreg:$0x1] =	wrdreg $0xFFFFFFFF  }
0xad: {  	[dreg:$0x0] =	wrdreg $0x60  }
0xae: {  	[dreg:$0x2] =	wrdreg s24  }
0xaf: {  	[dreg:$0x3] =	wrdreg s2  }
0xb0: {  	[dreg:$0x4] =	wrdreg $0x1BD800  }
0xb1: {  	[dreg:$0x5] =	wrdreg $0x9  }
0xb2: {  	_ =	task.clear_ibuf [dreg:s7], $0x6FFFF;
	_ =	strace $0x90000046  }
0xb3: {  	s29 =	simm.s32 $0x9;
	_ =	strace $0x80000048  }
0xb4: {  	_ =	swait.ge [sflag:s29], $0x1  }
0xb5: {  	[sflag:s29] =	ssyncadd.s32 $0xFFFFFFFF  }
0xb6: {  	_ =	strace $0x90000048  }
0xb7: {  	_ =	sfence  }
0xb8: {  	s30 =	sld [smem:$0x0];
	_ =	sdelay $0x2  }
0xb9: {  	s31 =	sshll.u32 s1, $0xD;
	s1 =	sshrl.u32 s1, $0x2  }
0xba: {  	s3 =	sand.u32 $0x4000, s31;
	s1 =	sadd.s32 s1, s30  }
0xbb: {  	s0 =	sor.u32 s3, s0;
	s1 =	sshll.u32 s1, $0x11  }
0xbc: {  	s0 =	sor.u32 s1, s0  }
0xbd: {  	s0 =	sadd.s32 $0x8F2B, s0  }
0xbe: {  	[sflag:s0] =	ssyncadd.remote.s32 $0x1  }
0xbf: {  	_ =	sfence.sel $0xFFFF  }
0xc0: {  	[dreg:$0x0] =	wrdreg $0xFFFFFFFF;
	(pc) =	sbr.abs _section_cstart, $3  }
0xc1: {  	[dreg:$0x1] =	wrdreg $0xFFFFFFFF  }
0xc2: {  	_ =	task.clear_ibuf [dreg:s7], $0x2FFFF;
	_ =	strace $0x9FFFFFFF  }
0xc3: {  	(tm) =	ssettm $0x7FFFFFFF  }
tec
execute0_lowered:
.L_overlay_start_1:
0x0: {  	(tag) =	ssettag $0x1  }
0x1: {  	s0 =	rddreg [dreg:$0x0];
	s1 =	srdreg.scid  }
0x2: {  	s11 =	rddreg [dreg:$0x2];
	s4 =	stileid.u32  }
0x3: {  	s26 =	simm.s32 $0x0;
	s1 =	sand.u32 $0x1, s1;
	s3 =	smul.u32 $0xA00, s4  }
0x4: {  	[smem:$0x7FF] =	sst s26;
	s10 =	smul.u32 $0xD140, s4;
	s2 =	sshll.u32 s1, $0x4  }
0x5: {  	s1 =	ssub.s32 $0x2, s1;
	_ =	strace $0x80000047;
	s2 =	sor.u32 s4, s2  }
0x6: {  	s8 =	sshrl.u32 s3, $0x3;
	s9 =	sshrl.u32 s1, $0x1;
	s29 =	sor.u32 $0x70, s3  }
0x7: {  	s5 =	smul.u32 $0x2800, s2;
	s6 =	sshllo.u32 s2, $0x1;
	s8 =	sadd.s32 s8, s0  }
0x8: {  	s1 =	ssub.s32 s1, s9;
	[dreg:$0x15] =	wrdreg s29;
	s24 =	sadd.s32 $0x50000, s8  }
0x9: {  	s30 =	smul.u32 $0x6C000, s2;
	s28 =	smax.u32 s1, $0x1;
	[dreg:$0xe] =	wrdreg s24  }
0xa: {  	s7 =	smul.u32 $0x1400, s6;
	[dreg:$0x14] =	wrdreg s28  }
0xb: {  	s31 =	smul.u32 $0x36000, s6;
	s22 =	sadd.s32 s0, s5;
	[dreg:$0x10] =	wrdreg s30  }
0xc: {  	[dreg:$0xc] =	wrdreg s22  }
0xd: {  	s23 =	sshrl.u32 s10, $0x2;
	s0 =	sadd.s32 s0, s7;
	[dreg:$0x13] =	wrdreg s31  }
0xe: {  	[dreg:$0xd] =	wrdreg s0;
	s0 =	sadd.s32 s23, s11  }
0xf: {  	s25 =	sadd.s32 $0x1170, s0;
	[dreg:$0xf] =	wrdreg s0  }
0x10: {  	s10 =	simm.s32 $0x9C80;
	s0 =	sadd.s32 $0x22E0, s0;
	[dreg:$0x11] =	wrdreg s25  }
0x11: {  	v0 =	vimm.s32 $0x9C40;
	v1 =	vlaneseq.u32;
	v2 =	vimm.f32 $0.0e+00;
	s4 =	simm.s32 $0x15800;
	s2 =	simm.s32 $0x0;
	[dreg:$0x12] =	wrdreg s0  }
.LBB2_1:
0x12: {  	s0 =	rddreg [dreg:$0xc]  }
0x13: {  	[tilespmem:s26], [sflag:$0x1] =	stream.linear.gather [hbm4b:s0+s26], $0x9C50, $0x38;
	[tilespmem:$0x1F1D8] =	vst v63  }
0x14: {  	s31 =	rddreg [dreg:$0xd];
	s0 =	simm.s32 $0x16C40  }
0x15: {  	[tilespmem:s10], [sflag:$0x2] =	stream.linear.gather [hbm4b:s31+s26], $0x9C50, $0x38;
	[tilespmem:$0x1F1D8] =	vst v63  }
0x16: {  	[tilespmem:s0+$0xFFFFFFC0] =	vst v0  }
0x17: {  	[tilespmem:s0+$0x30] =	vst v0  }
0x18: {  	[tilespmem:s0+$0x20] =	vst v0  }
0x19: {  	[tilespmem:s0+$0x10] =	vst v0  }
0x1a: {  	[tilespmem:s0+$0x0] =	vst v0  }
0x1b: {  	[tilespmem:s0+$0xFFFFFFF0] =	vst v0  }
0x1c: {  	s1 =	simm.s32 $0x0;
	[tilespmem:s0+$0xFFFFFFE0] =	vst v0  }
.LBB2_2:
0x1d: {  	s1 =	sadd.s32 $0x8, s1;
	[tilespmem:s0+$0xFFFFFFD0] =	vst v0;
	s0 =	sadd.s32 $0x80, s0  }
0x1e: {  	[tilespmem:s0+$0xFFFFFFC0] =	vst v0;
	p0 =	slt.u32 s1, $0x108  }
0x1f: {  	[tilespmem:s0+$0x30] =	vst v0  }
.Ltmp0:
0x20: {  	[tilespmem:s0+$0x20] =	vst v0;
	(pc) =	sbr.rel @p0 .LBB2_2-.Ltmp0, $4  }
0x21: {  	[tilespmem:s0+$0x10] =	vst v0  }
0x22: {  	[tilespmem:s0+$0x0] =	vst v0  }
0x23: {  	[tilespmem:s0+$0xFFFFFFF0] =	vst v0  }
0x24: {  	[tilespmem:s0+$0xFFFFFFE0] =	vst v0  }
0x25: {  	[dreg:$0x16] =	wrdreg s2  }
0x26: {  	[tilespmem:s0+$0xFFFFFFD0] =	vst v0;
	s0 =	simm.s32 $0x0  }
.LBB2_4:
0x27: {  	p0 =	sne.s32 s0, $0x180  }
.Ltmp1:
0x28: {  	_ = 	snop;
	(pc) =	sbr.rel @p0 .LBB2_4-.Ltmp1, $3  }
0x29: {  	_ =	sdelay $0x1  }
0x2a: {  	s1 =	sshra.s32 s0, $0x2  }
0x2b: {  	s0 =	sadd.s32 $0x40, s0;
	[tilespmem:s1+$0x17D00] =	vst v0  }
0x2c: {  	s0 =	rddreg [dreg:$0xe]  }
0x2d: {  	s3 =	rddreg [dreg:$0x15]  }
0x2e: {  	[tilespmem:s4], [sflag:$0x3] =	stream.linear.gather [hbm4b:s0+s26], $0xA00, $0x38;
	[tilespmem:$0x1F1D8] =	vst v63  }
0x2f: {  	s1 =	sadd.s32 $0xFFFFFFF0, s3  }
0x30: {  	s0 =	simm.s32 $0x16240;
	s2 =	sadd.s32 $0xFFFFFFA0, s3;
	v3 =	vor.u32 s1, v1  }
0x31: {  	s30 =	sadd.s32 $0xFFFFFFD0, s3;
	v4 =	vor.u32 s2, v1;
	[tilespmem:s0+$0x20] =	vst v3  }
0x32: {  	s25 =	sadd.s32 $0xFFFFFFB0, s3;
	v5 =	vor.u32 s30, v1;
	[tilespmem:s0+$0xFFFFFFD0] =	vst v4  }
0x33: {  	s28 =	sadd.s32 $0xFFFFFF90, s3;
	v3 =	vor.u32 s25, v1;
	[tilespmem:s0+$0x0] =	vst v5  }
0x34: {  	s29 =	sadd.s32 $0xFFFFFFC0, s3;
	v4 =	vor.u32 s28, v1;
	[tilespmem:s0+$0xFFFFFFE0] =	vst v3  }
0x35: {  	s31 =	sadd.s32 $0xFFFFFFE0, s3;
	v3 =	vor.u32 s29, v1;
	[tilespmem:s0+$0xFFFFFFC0] =	vst v4  }
0x36: {  	s1 =	simm.s32 $0x0;
	s2 =	sadd.s32 $0x80, s3;
	v4 =	vor.u32 s31, v1;
	[tilespmem:s0+$0xFFFFFFF0] =	vst v3;
	v3 =	vor.u32 s3, v1  }
.LBB2_6:
0x37: {  	s3 =	sadd.s32 $0xFFFFFFA0, s2;
	s5 =	sadd.s32 $0xFFFFFFF0, s2;
	v5 =	vor.u32 s2, v1;
	s1 =	sadd.s32 $0x8, s1;
	[tilespmem:s0+$0x10] =	vst v4  }
0x38: {  	v4 =	vor.u32 s3, v1;
	s3 =	sadd.s32 $0xFFFFFFB0, s2;
	v6 =	vor.u32 s5, v1;
	p0 =	slt.u32 s1, $0x98;
	[tilespmem:s0+$0x30] =	vst v3;
	s0 =	sadd.s32 $0x80, s0;
	v3 =	vmov v5  }
0x39: {  	s6 =	sadd.s32 $0xFFFFFFE0, s2;
	s5 =	sadd.s32 $0xFFFFFFD0, s2;
	v5 =	vor.u32 s3, v1;
	s3 =	sadd.s32 $0xFFFFFFC0, s2;
	[tilespmem:s0+$0x20] =	vst v6  }
.Ltmp2:
0x3a: {  	s7 =	sadd.s32 $0xFFFFFF90, s2;
	v7 =	vor.u32 s5, v1;
	[tilespmem:s0+$0xFFFFFFD0] =	vst v4;
	v6 =	vor.u32 s3, v1;
	v4 =	vor.u32 s6, v1;
	(pc) =	sbr.rel @p0 .LBB2_6-.Ltmp2, $4  }
0x3b: {  	v8 =	vor.u32 s7, v1;
	[tilespmem:s0+$0xFFFFFFE0] =	vst v5  }
0x3c: {  	[tilespmem:s0+$0xFFFFFFC0] =	vst v8  }
0x3d: {  	[tilespmem:s0+$0xFFFFFFF0] =	vst v6  }
0x3e: {  	s2 =	sadd.s32 $0x80, s2;
	[tilespmem:s0+$0x0] =	vst v7  }
0x3f: {  	[tilespmem:s0+$0x10] =	vst v4  }
0x40: {  	[tilespmem:s0+$0x30] =	vst v3  }
0x41: {  	s1 =	simm.s32 $0x16C00;
	s2 =	simm.s32 $0xA;
	s0 =	rddreg [dreg:$0xf]  }
0x42: {  	[spmem:s0] =	stream.linear.scatter [tilespmem:s1], [sflag:$0xA], $0x1170, $0x38;
	[tilespmem:$0x1F1D8] =	vst v63  }
0x43: {  	_ =	swait.ge [sflag:s2], $0x1170  }
0x44: {  	[sflag:s2] =	ssyncset.done $0x0  }
0x45: {  	s22 =	rddreg [dreg:$0x11];
	[sflag:s2] =	ssyncadd.s32 $0xFFFFEE90  }
0x46: {  	[spmem:s22] =	stream.linear.scatter [tilespmem:s1], [sflag:$0xA], $0x1170, $0x38;
	[tilespmem:$0x1F1D8] =	vst v63  }
0x47: {  	_ =	swait.ge [sflag:s2], $0x1170  }
0x48: {  	[sflag:s2] =	ssyncset.done $0x0  }
0x49: {  	s23 =	rddreg [dreg:$0x12];
	[sflag:s2] =	ssyncadd.s32 $0xFFFFEE90  }
0x4a: {  	[spmem:s23] =	stream.linear.scatter [tilespmem:s1], [sflag:$0xA], $0x1170, $0x38;
	[tilespmem:$0x1F1D8] =	vst v63  }
0x4b: {  	_ =	swait.ge [sflag:s2], $0x1170  }
0x4c: {  	[sflag:s2] =	ssyncset.done $0x0  }
0x4d: {  	s24 =	simm.s32 $0x3;
	[sflag:s2] =	ssyncadd.s32 $0xFFFFEE90  }
0x4e: {  	_ =	swait.ge [sflag:s24], $0xA00  }
0x4f: {  	[sflag:s24] =	ssyncset.done $0x0  }
0x50: {  	[sflag:s24] =	ssyncadd.s32 $0xFFFFF600  }
0x51: {  	[bflag:$0x0] =	sbarrier.arrive $0xFFFF  }
0x52: {  	s28 =	simm.s32 $0xA00;
	s3 =	simm.s32 $0x16200;
	s25 =	rddreg [dreg:$0x2]  }
0x53: {  	[spmem:s25] =	stream.indirect.scatter [tilespmem:s3], [sflag:$0xA], $0x1, s4, s28, $0xb8;
	[tilespmem:$0x1F1D8] =	vst v63  }
0x54: {  	_ =	swait.ge [sflag:s2], $0xA00  }
0x55: {  	[sflag:s2] =	ssyncset.done $0x0  }
0x56: {  	[sflag:s2] =	ssyncadd.s32 $0xFFFFF600  }
0x57: {  	s29 =	simm.s32 $0x1;
	[bflag:$0x0] =	sbarrier.arrive $0xFFFF  }
0x58: {  	_ =	swait.ge [sflag:s29], $0x9C50  }
0x59: {  	[sflag:s29] =	ssyncset.done $0x0  }
0x5a: {  	s30 =	simm.s32 $0x2;
	[sflag:s29] =	ssyncadd.s32 $0xFFFF63B0  }
0x5b: {  	_ =	swait.ge [sflag:s30], $0x9C50  }
0x5c: {  	[sflag:s30] =	ssyncset.done $0x0  }
0x5d: {  	[sflag:s30] =	ssyncadd.s32 $0xFFFF63B0  }
0x5e: {  	[tilespmem:$0x9C40] =	vst v2  }
0x5f: {  	s31 =	simm.s32 $0x13900;
	s2 =	simm.s32 $0x0;
	[tilespmem:$0x138C0] =	vst v2  }
0x60: {  	[tilespmem:s31], [sflag:$0x4] =	stream.linear.gather [spmem:s25], $0xF80, $0x38;
	[tilespmem:$0x1F1D8] =	vst v63  }
.LBB2_8:
0x61: {  	s0 =	sshllo.u32 s2, $0x1  }
0x62: {  	[dreg:$0x18] =	wrdreg s0;
	s0 =	smul.u32 $0x3E00, s0  }
0x63: {  	_ = 	snop  }
0x64: {  	s1 =	rddreg [dreg:$0x2];
	s0 =	sshra.s32 s0, $0x2  }
0x65: {  	s20 =	simm.s32 $0x14880;
	s21 =	simm.s32 $0x4;
	s0 =	sadd.s32 s0, s1  }
0x66: {  	[tilespmem:s20], [sflag:$0x5] =	stream.linear.gather [spmem:s0], $0xF80, $0x38;
	[tilespmem:$0x1F1D8] =	vst v63  }
0x67: {  	_ =	swait.ge [sflag:s21], $0xF80  }
0x68: {  	p0 =	seq.s32 s2, $0x0;
	[sflag:s21] =	ssyncset.done $0x0  }
0x69: {  	s0 =	simm.s32 @!p0 $0x6;
	[dreg:$0x17] =	wrdreg s2;
	[sflag:s21] =	ssyncadd.s32 $0xFFFFF080  }
0x6a: {  	_ =	swait.ge @!p0 [sflag:s0], $0x1000  }
0x6b: {  	[sflag:s0] =	ssyncset.done @!p0 $0x0  }
0x6c: {  	[sflag:s0] =	ssyncadd.s32 @!p0 $0xFFFFF000;
	s0 =	simm.s32 @!p0 $0x8  }
0x6d: {  	_ =	swait.ge @!p0 [sflag:s0], $0x1000  }
0x6e: {  	[sflag:s0] =	ssyncset.done @!p0 $0x0  }
0x6f: {  	s1 =	simm.s32 $0x140C0;
	[sflag:s0] =	ssyncadd.s32 @!p0 $0xFFFFF000  }
0x70: {  	v3 =	vld [tilespmem:s1+$0xFFFFF850];
	_ =	sdelay $0x2  }
0x71: {  	v4 =	vld [tilespmem:s1+$0xFFFFF840];
	_ =	sdelay $0x4  }
0x72: {  	v5 =	vld.idx.msk [tilespmem:v3+s26+$0x0], $0xffff;
	_ =	sdelay $0x1  }
0x73: {  	s12 =	simm.s32 $0x0;
	s2 =	simm.s32 $0x10  }
0x74: {  	s6 =	sand.u32 $0xC00, s12;
	s22 =	sand.u32 $0x70, s2;
	v6 =	vld.idx.msk [tilespmem:v4+s26+$0x0], $0xffff  }
0x75: {  	s7 =	sor.u32 s6, s22  }
0x76: {  	[tilespmem:s7+$0x17D80] =	vst v5  }
0x77: {  	s23 =	sand.u32 $0x60, s12;
	v3 =	vld.idx.msk [tilespmem:v3+s10+$0x0], $0xffff  }
0x78: {  	s0 =	sor.u32 s23, s6  }
0x79: {  	[tilespmem:s0+$0x17D80] =	vst v6  }
0x7a: {  	v4 =	vld.idx.msk [tilespmem:v4+s10+$0x0], $0xffff;
	_ =	sdelay $0x1  }
0x7b: {  	s3 =	sand.u32 $0x1E0, s12;
	[tilespmem:s7+$0x19D80] =	vst v3  }
0x7c: {  	v3 =	vld [tilespmem:s3+$0x13B00];
	_ =	sdelay $0x1  }
0x7d: {  	[tilespmem:s0+$0x19D80] =	vst v4  }
0x7e: {  	v4 =	vld [tilespmem:s1+$0xFFFFFA30];
	_ =	sdelay $0x4  }
0x7f: {  	v5 =	vld.idx.msk [tilespmem:v3+s26+$0x0], $0xffff;
	_ =	sdelay $0x2  }
0x80: {  	v6 =	vld.idx.msk [tilespmem:v4+s26+$0x0], $0xffff;
	_ =	sdelay $0x1  }
0x81: {  	[tilespmem:s7+$0x17E00] =	vst v5  }
0x82: {  	v3 =	vld.idx.msk [tilespmem:v3+s10+$0x0], $0xffff;
	_ =	sdelay $0x1  }
0x83: {  	[tilespmem:s0+$0x17E00] =	vst v6  }
0x84: {  	v4 =	vld.idx.msk [tilespmem:v4+s10+$0x0], $0xffff;
	_ =	sdelay $0x1  }
0x85: {  	[tilespmem:s7+$0x19E00] =	vst v3  }
0x86: {  	v3 =	vld [tilespmem:s1+$0xFFFFFC30];
	_ =	sdelay $0x1  }
0x87: {  	[tilespmem:s0+$0x19E00] =	vst v4  }
0x88: {  	s11 =	simm.s32 $0x140E0;
	v6 =	vld [tilespmem:s1+$0xFFFFFC20]  }
0x89: {  	v5 =	vld [tilespmem:s11+$0xFFFFF850]  }
0x8a: {  	v4 =	vld [tilespmem:s11+$0xFFFFF840];
	_ =	sdelay $0x2  }
0x8b: {  	v7 =	vld.idx.msk [tilespmem:v3+s26+$0x0], $0xffff;
	_ =	sdelay $0x2  }
0x8c: {  	v10 =	vld.idx.msk [tilespmem:v6+s26+$0x0], $0xffff  }
0x8d: {  	v8 =	vld.idx.msk [tilespmem:v5+s26+$0x0], $0xffff  }
0x8e: {  	v9 =	vld.idx.msk [tilespmem:v4+s26+$0x0], $0xffff;
	[tilespmem:s7+$0x17E80] =	vst v7  }
0x8f: {  	s4 =	simm.s32 $0x30;
	s28 =	simm.s32 $0x100;
	v3 =	vld.idx.msk [tilespmem:v3+s10+$0x0], $0xffff  }
0x90: {  	s19 =	simm.s32 $0x20;
	s5 =	sand.u32 $0x70, s4;
	s10 =	sand.u32 $0xC00, s28  }
0x91: {  	s8 =	sand.u32 $0x60, s19;
	s3 =	simm.s32 $0x9C80;
	[tilespmem:s0+$0x17E80] =	vst v10;
	s5 =	sor.u32 s10, s5  }
0x92: {  	v6 =	vld.idx.msk [tilespmem:v6+s3+$0x0], $0xffff;
	s15 =	sor.u32 s8, s10;
	[tilespmem:s5+$0x17D80] =	vst v8  }
0x93: {  	[tilespmem:s15+$0x17D80] =	vst v9;
	v5 =	vld.idx.msk [tilespmem:v5+s3+$0x0], $0xffff  }
0x94: {  	v4 =	vld.idx.msk [tilespmem:v4+s3+$0x0], $0xffff;
	[tilespmem:s7+$0x19E80] =	vst v3  }
0x95: {  	v3 =	vld [tilespmem:s1+$0xFFFFFE20];
	_ =	sdelay $0x1  }
0x96: {  	[tilespmem:s0+$0x19E80] =	vst v6  }
0x97: {  	s24 =	sand.u32 $0x1E0, s19;
	v6 =	vld [tilespmem:s1+$0xFFFFFE10];
	[tilespmem:s5+$0x19D80] =	vst v5  }
0x98: {  	[tilespmem:s15+$0x19D80] =	vst v4;
	v5 =	vld [tilespmem:s24+$0x13B00]  }
0x99: {  	v4 =	vld [tilespmem:s11+$0xFFFFFA30];
	_ =	sdelay $0x2  }
0x9a: {  	v7 =	vld.idx.msk [tilespmem:v3+s26+$0x0], $0xffff;
	_ =	sdelay $0x2  }
0x9b: {  	s25 =	sor.u32 s2, s6;
	v10 =	vld.idx.msk [tilespmem:v6+s26+$0x0], $0xffff  }
0x9c: {  	s8 =	sor.u32 $0x180, s25;
	v8 =	vld.idx.msk [tilespmem:v5+s26+$0x0], $0xffff  }
0x9d: {  	v9 =	vld.idx.msk [tilespmem:v4+s26+$0x0], $0xffff;
	[tilespmem:s8+$0x17D80] =	vst v7  }
0x9e: {  	s6 =	sor.u32 s12, s6;
	v3 =	vld.idx.msk [tilespmem:v3+s3+$0x0], $0xffff  }
0x9f: {  	s6 =	sor.u32 $0x180, s6  }
0xa0: {  	[tilespmem:s6+$0x17D80] =	vst v10  }
0xa1: {  	v6 =	vld.idx.msk [tilespmem:v6+s3+$0x0], $0xffff;
	[tilespmem:s5+$0x17E00] =	vst v8  }
0xa2: {  	[tilespmem:s15+$0x17E00] =	vst v9;
	v5 =	vld.idx.msk [tilespmem:v5+s3+$0x0], $0xffff  }
0xa3: {  	v4 =	vld.idx.msk [tilespmem:v4+s3+$0x0], $0xffff;
	[tilespmem:s8+$0x19D80] =	vst v3  }
0xa4: {  	v3 =	vld [tilespmem:s1+$0x10]  }
0xa5: {  	s17 =	simm.s32 $0x14100  }
0xa6: {  	[tilespmem:s6+$0x19D80] =	vst v6;
	v6 =	vld [tilespmem:s17+$0xFFFFF850]  }
0xa7: {  	[tilespmem:s5+$0x19E00] =	vst v5  }
0xa8: {  	[tilespmem:s15+$0x19E00] =	vst v4;
	v5 =	vld [tilespmem:s11+$0xFFFFFC30]  }
0xa9: {  	v4 =	vld [tilespmem:s11+$0xFFFFFC20];
	_ =	sdelay $0x1  }
0xaa: {  	v8 =	vld [tilespmem:s17+$0xFFFFF840]  }
0xab: {  	v9 =	vld.idx.msk [tilespmem:v3+s26+$0x0], $0xffff  }
0xac: {  	v7 =	vld [tilespmem:s1+$0x0]  }
0xad: {  	v12 =	vld.idx.msk [tilespmem:v6+s26+$0x0], $0xffff;
	_ =	sdelay $0x1  }
0xae: {  	s13 =	simm.s32 $0x50;
	s18 =	simm.s32 $0x200;
	v10 =	vld.idx.msk [tilespmem:v5+s26+$0x0], $0xffff  }
0xaf: {  	s9 =	sand.u32 $0xC00, s18;
	s8 =	sand.u32 $0x70, s13;
	v11 =	vld.idx.msk [tilespmem:v4+s26+$0x0], $0xffff;
	[tilespmem:s7+$0x17F80] =	vst v9  }
0xb0: {  	s21 =	sor.u32 s9, s8;
	v3 =	vld.idx.msk [tilespmem:v3+s3+$0x0], $0xffff  }
0xb1: {  	v13 =	vld.idx.msk [tilespmem:v8+s26+$0x0], $0xffff;
	[tilespmem:s21+$0x17D80] =	vst v12  }
0xb2: {  	v6 =	vld.idx.msk [tilespmem:v6+s3+$0x0], $0xffff  }
0xb3: {  	s6 =	simm.s32 $0x40;
	v9 =	vld.idx.msk [tilespmem:v7+s26+$0x0], $0xffff;
	[tilespmem:s5+$0x17E80] =	vst v10  }
0xb4: {  	s14 =	sand.u32 $0x60, s6;
	[tilespmem:s15+$0x17E80] =	vst v11;
	v5 =	vld.idx.msk [tilespmem:v5+s3+$0x0], $0xffff  }
0xb5: {  	s23 =	sor.u32 s14, s9;
	v4 =	vld.idx.msk [tilespmem:v4+s3+$0x0], $0xffff;
	[tilespmem:s7+$0x19F80] =	vst v3  }
0xb6: {  	[tilespmem:s23+$0x17D80] =	vst v13;
	v3 =	vld [tilespmem:s1+$0x200]  }
0xb7: {  	s16 =	sand.u32 $0x1E0, s6;
	v8 =	vld.idx.msk [tilespmem:v8+s3+$0x0], $0xffff;
	[tilespmem:s21+$0x19D80] =	vst v6  }
0xb8: {  	[tilespmem:s0+$0x17F80] =	vst v9;
	v6 =	vld [tilespmem:s16+$0x13B00]  }
0xb9: {  	v7 =	vld.idx.msk [tilespmem:v7+s3+$0x0], $0xffff;
	[tilespmem:s5+$0x19E80] =	vst v5  }
0xba: {  	[tilespmem:s15+$0x19E80] =	vst v4;
	v5 =	vld [tilespmem:s11+$0xFFFFFE20]  }
0xbb: {  	v4 =	vld [tilespmem:s11+$0xFFFFFE10]  }
0xbc: {  	[tilespmem:s23+$0x19D80] =	vst v8  }
0xbd: {  	v9 =	vld [tilespmem:s17+$0xFFFFFA30]  }
0xbe: {  	[tilespmem:s0+$0x19F80] =	vst v7;
	v8 =	vld.idx.msk [tilespmem:v3+s26+$0x0], $0xffff  }
0xbf: {  	v7 =	vld [tilespmem:s1+$0x1F0]  }
0xc0: {  	v12 =	vld.idx.msk [tilespmem:v6+s26+$0x0], $0xffff;
	_ =	sdelay $0x1  }
0xc1: {  	v10 =	vld.idx.msk [tilespmem:v5+s26+$0x0], $0xffff  }
0xc2: {  	s20 =	simm.s32 $0x30;
	v11 =	vld.idx.msk [tilespmem:v4+s26+$0x0], $0xffff;
	[tilespmem:s7+$0x18000] =	vst v8  }
0xc3: {  	v3 =	vld.idx.msk [tilespmem:v3+s3+$0x0], $0xffff;
	[dreg:$0x4] =	wrdreg s20  }
0xc4: {  	s22 =	sor.u32 s4, s10;
	v8 =	vld.idx.msk [tilespmem:v9+s26+$0x0], $0xffff;
	[tilespmem:s21+$0x17E00] =	vst v12  }
0xc5: {  	s10 =	sor.u32 s19, s10;
	s8 =	sor.u32 $0x180, s22;
	v6 =	vld.idx.msk [tilespmem:v6+s3+$0x0], $0xffff  }
0xc6: {  	s10 =	sor.u32 $0x180, s10;
	[tilespmem:s8+$0x17D80] =	vst v10;
	v10 =	vld.idx.msk [tilespmem:v7+s26+$0x0], $0xffff  }
0xc7: {  	[tilespmem:s10+$0x17D80] =	vst v11;
	v5 =	vld.idx.msk [tilespmem:v5+s3+$0x0], $0xffff  }
0xc8: {  	v4 =	vld.idx.msk [tilespmem:v4+s3+$0x0], $0xffff;
	[tilespmem:s7+$0x1A000] =	vst v3  }
0xc9: {  	v3 =	vld [tilespmem:s1+$0x3F0];
	[tilespmem:s23+$0x17E00] =	vst v8  }
0xca: {  	v8 =	vld.idx.msk [tilespmem:v9+s3+$0x0], $0xffff  }
0xcb: {  	s16 =	simm.s32 $0x14120;
	[tilespmem:s21+$0x19E00] =	vst v6  }
0xcc: {  	v11 =	vld [tilespmem:s16+$0xFFFFF840];
	[tilespmem:s0+$0x18000] =	vst v10  }
0xcd: {  	[tilespmem:s8+$0x19D80] =	vst v5;
	v6 =	vld [tilespmem:s17+$0xFFFFFC30]  }
0xce: {  	[tilespmem:s10+$0x19D80] =	vst v4;
	v4 =	vld [tilespmem:s11+$0x10]  }
0xcf: {  	v10 =	vld [tilespmem:s16+$0xFFFFF850];
	[tilespmem:s23+$0x19E00] =	vst v8  }
0xd0: {  	v9 =	vld [tilespmem:s17+$0xFFFFFC20]  }
0xd1: {  	s24 =	sand.u32 $0x7, s12;
	v8 =	vld.idx.msk [tilespmem:v3+s26+$0x0], $0xffff  }
0xd2: {  	s7 =	sshll.u32 s24, $0x4;
	v7 =	vld.idx.msk [tilespmem:v7+s3+$0x0], $0xffff  }
0xd3: {  	s7 =	sadd.s32 $0x0, s7;
	v5 =	vld [tilespmem:s11+$0x0]  }
0xd4: {  	s7 =	sadd.s32 $0x10, s7;
	v59 =	vld.idx.msk [tilespmem:v11+s26+$0x0], $0xffff  }
0xd5: {  	s7 =	sor.u32 $0x300, s7;
	v14 =	vld.idx.msk [tilespmem:v6+s26+$0x0], $0xffff  }
0xd6: {  	v57 =	vld.idx.msk [tilespmem:v4+s26+$0x0], $0xffff;
	[tilespmem:s7+$0x17D80] =	vst v8  }
0xd7: {  	[tilespmem:s0+$0x1A000] =	vst v7;
	v3 =	vld.idx.msk [tilespmem:v3+s3+$0x0], $0xffff  }
0xd8: {  	v7 =	vld [tilespmem:s1+$0x3E0]  }
0xd9: {  	v8 =	vld.idx.msk [tilespmem:v9+s26+$0x0], $0xffff  }
0xda: {  	v15 =	vld.idx.msk [tilespmem:v10+s26+$0x0], $0xffff;
	[tilespmem:s21+$0x17E80] =	vst v14  }
0xdb: {  	v58 =	vld.idx.msk [tilespmem:v5+s26+$0x0], $0xffff;
	[tilespmem:s5+$0x17F80] =	vst v57  }
0xdc: {  	s25 =	simm.s32 $0x70;
	s0 =	simm.s32 $0x300;
	s26 =	simm.s32 $0x70;
	v4 =	vld.idx.msk [tilespmem:v4+s3+$0x0], $0xffff;
	[tilespmem:s7+$0x19D80] =	vst v3  }
0xdd: {  	s8 =	sand.u32 $0x70, s25;
	s10 =	sand.u32 $0xC00, s0;
	v6 =	vld.idx.msk [tilespmem:v6+s3+$0x0], $0xffff;
	[dreg:$0x6] =	wrdreg s26  }
0xde: {  	s24 =	sor.u32 s10, s8;
	v60 =	vld [tilespmem:s1+$0x5E0];
	[tilespmem:s23+$0x17E80] =	vst v8  }
0xdf: {  	s26 =	simm.s32 $0x60;
	[tilespmem:s24+$0x17D80] =	vst v15;
	v3 =	vld.idx.msk [tilespmem:v9+s3+$0x0], $0xffff  }
0xe0: {  	s14 =	sand.u32 $0x60, s26;
	[tilespmem:s15+$0x17F80] =	vst v58;
	v8 =	vld.idx.msk [tilespmem:v10+s3+$0x0], $0xffff  }
0xe1: {  	[tilespmem:s5+$0x19F80] =	vst v4;
	s25 =	sor.u32 s14, s10;
	v5 =	vld.idx.msk [tilespmem:v5+s3+$0x0], $0xffff  }
0xe2: {  	v4 =	vld [tilespmem:s11+$0x200];
	[tilespmem:s25+$0x17D80] =	vst v59  }
0xe3: {  	s7 =	simm.s32 $0x0;
	v9 =	vld.idx.msk [tilespmem:v11+s3+$0x0], $0xffff  }
0xe4: {  	[tilespmem:s21+$0x19E80] =	vst v6;
	v6 =	vld.idx.msk [tilespmem:v7+s7+$0x0], $0xffff  }
0xe5: {  	v10 =	vld [tilespmem:s17+$0xFFFFFE20];
	[tilespmem:s23+$0x19E80] =	vst v3  }
0xe6: {  	s22 =	sand.u32 $0x3, s12;
	s20 =	sand.u32 $0x1E0, s26;
	[tilespmem:s24+$0x19D80] =	vst v8;
	v8 =	vld [tilespmem:s17+$0xFFFFFE10]  }
0xe7: {  	s14 =	sshll.u32 s22, $0x5;
	[tilespmem:s15+$0x19F80] =	vst v5;
	v5 =	vld [tilespmem:s20+$0x13B00]  }
0xe8: {  	s4 =	sadd.s32 $0x0, s14;
	v11 =	vld [tilespmem:s11+$0x1F0];
	[tilespmem:s25+$0x19D80] =	vst v9  }
0xe9: {  	s4 =	sor.u32 $0x300, s4;
	v9 =	vld [tilespmem:s16+$0xFFFFFA30]  }
0xea: {  	[tilespmem:s4+$0x17D80] =	vst v6;
	v3 =	vld.idx.msk [tilespmem:v4+s7+$0x0], $0xffff  }
0xeb: {  	v6 =	vld.idx.msk [tilespmem:v7+s3+$0x0], $0xffff  }
0xec: {  	v61 =	vld.idx.msk [tilespmem:v60+s7+$0x0], $0xffff  }
0xed: {  	v7 =	vld.idx.msk [tilespmem:v10+s7+$0x0], $0xffff  }
0xee: {  	v62 =	vld.idx.msk [tilespmem:v8+s7+$0x0], $0xffff  }
0xef: {  	s20 =	simm.s32 $0x50;
	v15 =	vld.idx.msk [tilespmem:v5+s7+$0x0], $0xffff;
	[tilespmem:s5+$0x18000] =	vst v3  }
0xf0: {  	s2 =	sor.u32 s2, s12;
	v4 =	vld.idx.msk [tilespmem:v4+s3+$0x0], $0xffff;
	[dreg:$0x5] =	wrdreg s20  }
0xf1: {  	s2 =	sor.u32 $0x380, s2;
	s22 =	sor.u32 s13, s9;
	v16 =	vld.idx.msk [tilespmem:v11+s7+$0x0], $0xffff;
	[tilespmem:s4+$0x19D80] =	vst v6  }
0xf2: {  	s9 =	sor.u32 s6, s9;
	v6 =	vld.idx.msk [tilespmem:v9+s7+$0x0], $0xffff;
	s4 =	sor.u32 $0x180, s22;
	[tilespmem:s2+$0x17D80] =	vst v61  }
0xf3: {  	s8 =	sor.u32 $0x180, s9;
	[tilespmem:s4+$0x17D80] =	vst v7;
	v3 =	vld [tilespmem:s1+$0x5D0]  }
0xf4: {  	s9 =	simm.s32 $0x1;
	v7 =	vld.idx.msk [tilespmem:v10+s3+$0x0], $0xffff;
	[tilespmem:s8+$0x17D80] =	vst v62  }
0xf5: {  	s1 =	sand.u32 $0x3, s9;
	[tilespmem:s24+$0x17E00] =	vst v15;
	v8 =	vld.idx.msk [tilespmem:v8+s3+$0x0], $0xffff  }
0xf6: {  	s14 =	simm.s32 $0x2;
	s1 =	sshll.u32 s1, $0x5;
	v10 =	vld.idx.msk [tilespmem:v60+s3+$0x0], $0xffff;
	[tilespmem:s5+$0x1A000] =	vst v4  }
0xf7: {  	s20 =	sand.u32 $0x3, s14;
	s1 =	sadd.s32 $0x100, s1;
	v5 =	vld.idx.msk [tilespmem:v5+s3+$0x0], $0xffff;
	[tilespmem:s15+$0x18000] =	vst v16  }
0xf8: {  	s29 =	sor.u32 $0x300, s1;
	s1 =	sshll.u32 s20, $0x5;
	v4 =	vld [tilespmem:s11+$0x3F0];
	[tilespmem:s25+$0x17E00] =	vst v6  }
0xf9: {  	s31 =	simm.s32 $0x140E0;
	s13 =	sor.u32 s12, s12;
	s1 =	sadd.s32 $0x200, s1;
	v11 =	vld.idx.msk [tilespmem:v11+s3+$0x0], $0xffff;
	[tilespmem:s4+$0x19D80] =	vst v7  }
0xfa: {  	s12 =	simm.s32 $0x3;
	s6 =	sor.u32 s6, s18;
	v63 =	vld.idx.msk [tilespmem:v9+s3+$0x0], $0xffff;
	s1 =	sor.u32 $0x300, s1;
	[tilespmem:s8+$0x19D80] =	vst v8  }
0xfb: {  	s14 =	simm.s32 $0x200;
	s22 =	sor.u32 $0x380, s13;
	v7 =	vld [tilespmem:s17+$0x10];
	[dreg:$0x7] =	wrdreg s1  }
0xfc: {  	s5 =	sor.u32 s19, s28;
	s19 =	sor.u32 s26, s10;
	[dreg:$0x8] =	wrdreg s14  }
0xfd: {  	s20 =	sor.u32 s26, s0;
	s13 =	sor.u32 $0x380, s5;
	s11 =	sand.u32 $0x3, s12;
	v6 =	vld [tilespmem:s17+$0x0]  }
0xfe: {  	s9 =	sor.u32 $0x180, s19;
	s30 =	sor.u32 $0x380, s20;
	s18 =	sshll.u32 s11, $0x5;
	[tilespmem:s24+$0x19E00] =	vst v5;
	v5 =	vld.idx.msk [tilespmem:v3+s7+$0x0], $0xffff  }
0xff: {  	s11 =	smov.u32 s10;
	s10 =	simm.s32 $0x6;
	s4 =	sor.u32 $0x380, s6;
	[tilespmem:s25+$0x19E00] =	vst v63;
	v9 =	vld [tilespmem:s16+$0xFFFFFC30]  }
0x100: {  	s6 =	simm.s32 $0x14140;
	s1 =	sadd.s32 $0x300, s18;
	[tilespmem:s2+$0x19D80] =	vst v10;
	s2 =	simm.s32 $0x2;
	v10 =	vld [tilespmem:s16+$0xFFFFFC20]  }
0x101: {  	s14 =	simm.s32 $0x300;
	s18 =	sor.u32 $0x300, s1;
	[tilespmem:s15+$0x1A000] =	vst v11;
	s8 =	sand.u32 $0x7, s2;
	v8 =	vld.idx.msk [tilespmem:v4+s7+$0x0], $0xffff  }
.LBB2_9:
0x102: {  	_ =	sdelay $0x1  }
0x103: {  	v11 =	vld [tilespmem:s6+$0xFFFFF850]  }
0x104: {  	v12 =	vld [tilespmem:s6+$0xFFFFF840]  }
0x105: {  	s8 =	sshll.u32 s8, $0x4;
	v14 =	vld.idx.msk [tilespmem:v6+s7+$0x0], $0xffff  }
0x106: {  	s8 =	sadd.s32 s28, s8;
	[tilespmem:s22+$0x17D80] =	vst v5;
	v13 =	vld.idx.msk [tilespmem:v7+s7+$0x0], $0xffff  }
0x107: {  	s8 =	sadd.s32 $0x10, s8;
	v15 =	vld.idx.msk [tilespmem:v10+s7+$0x0], $0xffff  }
0x108: {  	s8 =	sor.u32 $0x300, s8;
	v5 =	vld.idx.msk [tilespmem:v9+s7+$0x0], $0xffff  }
0x109: {  	s5 =	simm.s32 $0x9C80;
	[tilespmem:s8+$0x17D80] =	vst v8;
	v8 =	vld [tilespmem:s31+$0x3E0]  }
0x10a: {  	v4 =	vld.idx.msk [tilespmem:v4+s5+$0x0], $0xffff  }
0x10b: {  	s3 =	smov.u32 s13;
	[tilespmem:s23+$0x17F80] =	vst v14;
	v16 =	vld.idx.msk [tilespmem:v11+s7+$0x0], $0xffff  }
0x10c: {  	s15 =	smov.u32 s4;
	s19 =	smov.u32 s30;
	s12 =	sadd.s32 $0x1, s12;
	[tilespmem:s21+$0x17F80] =	vst v13;
	v57 =	vld.idx.msk [tilespmem:v12+s7+$0x0], $0xffff  }
0x10d: {  	s26 =	sadd.s32 $0x20, s26;
	s0 =	sadd.s32 $0x100, s0;
	[dreg:$0x9] =	wrdreg s3;
	[tilespmem:s25+$0x17E80] =	vst v15;
	v7 =	vld.idx.msk [tilespmem:v7+s5+$0x0], $0xffff  }
0x10e: {  	[dreg:$0xb] =	wrdreg s19;
	s20 =	sand.u32 $0x3, s12;
	s4 =	sadd.s32 $0x10, s26;
	[tilespmem:s24+$0x17E80] =	vst v5;
	v6 =	vld.idx.msk [tilespmem:v6+s5+$0x0], $0xffff  }
0x10f: {  	s3 =	smov.u32 s18;
	s18 =	sand.u32 $0xC00, s0;
	s1 =	sand.u32 $0x70, s4;
	v5 =	vld.idx.msk [tilespmem:v9+s5+$0x0], $0xffff  }
0x110: {  	s19 =	sand.u32 $0x60, s26;
	s13 =	sshll.u32 s20, $0x5;
	[tilespmem:s8+$0x19D80] =	vst v4;
	s8 =	sor.u32 s18, s1;
	v9 =	vld.idx.msk [tilespmem:v10+s5+$0x0], $0xffff  }
0x111: {  	s30 =	sadd.s32 s13, s0;
	s13 =	sor.u32 s19, s18;
	v4 =	vld [tilespmem:s31+$0x5E0];
	[tilespmem:s8+$0x17D80] =	vst v16  }
0x112: {  	[tilespmem:s13+$0x17D80] =	vst v57;
	v10 =	vld.idx.msk [tilespmem:v11+s5+$0x0], $0xffff  }
0x113: {  	[tilespmem:s21+$0x19F80] =	vst v7;
	v11 =	vld.idx.msk [tilespmem:v12+s5+$0x0], $0xffff  }
0x114: {  	v7 =	vld [tilespmem:s17+$0x200];
	[tilespmem:s24+$0x19E80] =	vst v5  }
0x115: {  	v5 =	vld.idx.msk [tilespmem:v8+s7+$0x0], $0xffff;
	[tilespmem:s23+$0x19F80] =	vst v6  }
0x116: {  	[tilespmem:s25+$0x19E80] =	vst v9  }
0x117: {  	v9 =	vld [tilespmem:s16+$0xFFFFFE10]  }
0x118: {  	[dreg:$0xa] =	wrdreg s15;
	s15 =	sor.u32 s26, s18;
	v58 =	vld [tilespmem:s16+$0xFFFFFE20]  }
0x119: {  	s20 =	smov.u32 s22;
	s22 =	sor.u32 $0x180, s15;
	s15 =	sand.u32 $0x1E0, s26;
	v6 =	vld.idx.msk [tilespmem:v4+s7+$0x0], $0xffff;
	[tilespmem:s8+$0x19D80] =	vst v10  }
0x11a: {  	[tilespmem:s13+$0x19D80] =	vst v11;
	v10 =	vld [tilespmem:s15+$0x13B00]  }
0x11b: {  	v11 =	vld [tilespmem:s17+$0x1F0];
	[tilespmem:s29+$0x17D80] =	vst v5  }
0x11c: {  	s1 =	rddreg [dreg:$0x4];
	v5 =	vld [tilespmem:s6+$0xFFFFFA30]  }
0x11d: {  	s15 =	sor.u32 s1, s28;
	v8 =	vld.idx.msk [tilespmem:v8+s5+$0x0], $0xffff  }
0x11e: {  	s15 =	sor.u32 $0x380, s15;
	v59 =	vld.idx.msk [tilespmem:v7+s7+$0x0], $0xffff  }
0x11f: {  	[tilespmem:s15+$0x17D80] =	vst v6;
	v14 =	vld.idx.msk [tilespmem:v9+s7+$0x0], $0xffff  }
0x120: {  	s1 =	rddreg [dreg:$0x5];
	v4 =	vld.idx.msk [tilespmem:v4+s5+$0x0], $0xffff  }
0x121: {  	s28 =	smov.u32 s1;
	v6 =	vld.idx.msk [tilespmem:v58+s7+$0x0], $0xffff  }
0x122: {  	[dreg:$0x4] =	wrdreg s28;
	v60 =	vld.idx.msk [tilespmem:v10+s7+$0x0], $0xffff  }
0x123: {  	s28 =	rddreg [dreg:$0x6];
	[tilespmem:s21+$0x18000] =	vst v59;
	v61 =	vld.idx.msk [tilespmem:v11+s7+$0x0], $0xffff  }
0x124: {  	s1 =	smov.u32 s28;
	s28 =	smov.u32 s4;
	s4 =	rddreg [dreg:$0x8];
	[tilespmem:s29+$0x19D80] =	vst v8;
	v7 =	vld.idx.msk [tilespmem:v7+s5+$0x0], $0xffff  }
0x125: {  	[dreg:$0x6] =	wrdreg s28;
	s28 =	smov.u32 s4;
	s4 =	smov.u32 s14;
	v8 =	vld.idx.msk [tilespmem:v5+s7+$0x0], $0xffff  }
0x126: {  	[dreg:$0x8] =	wrdreg s4;
	s4 =	sor.u32 s1, s11;
	v62 =	vld [tilespmem:s31+$0x5D0];
	[tilespmem:s9+$0x17D80] =	vst v14  }
0x127: {  	s4 =	sor.u32 $0x180, s4;
	[tilespmem:s15+$0x19D80] =	vst v4  }
0x128: {  	[tilespmem:s4+$0x17D80] =	vst v6  }
0x129: {  	v6 =	vld.idx.msk [tilespmem:v58+s5+$0x0], $0xffff;
	[tilespmem:s8+$0x17E00] =	vst v60  }
0x12a: {  	v9 =	vld.idx.msk [tilespmem:v9+s5+$0x0], $0xffff;
	[tilespmem:s23+$0x18000] =	vst v61  }
0x12b: {  	s31 =	smov.u32 s17;
	v10 =	vld.idx.msk [tilespmem:v10+s5+$0x0], $0xffff;
	[tilespmem:s21+$0x1A000] =	vst v7  }
0x12c: {  	s10 =	sadd.s32 $0x2, s10;
	[tilespmem:s13+$0x17E00] =	vst v8;
	v4 =	vld [tilespmem:s31+$0x3F0]  }
0x12d: {  	s2 =	sadd.s32 $0x2, s2;
	s19 =	sor.u32 $0x300, s30;
	s30 =	sor.u32 s26, s0;
	v8 =	vld.idx.msk [tilespmem:v11+s5+$0x0], $0xffff  }
0x12e: {  	p1 =	slt.u32 s10, $0x1C;
	s30 =	sor.u32 $0x380, s30;
	s14 =	smov.u32 s0;
	v11 =	vld.idx.msk [tilespmem:v5+s5+$0x0], $0xffff  }
0x12f: {  	[dreg:$0x5] =	wrdreg s1;
	s11 =	smov.u32 s18;
	s17 =	smov.u32 s16;
	v63 =	vld.idx.msk [tilespmem:v3+s5+$0x0], $0xffff;
	[tilespmem:s9+$0x19D80] =	vst v9  }
0x130: {  	s18 =	rddreg [dreg:$0x7];
	s21 =	smov.u32 s24;
	s24 =	smov.u32 s8;
	[tilespmem:s4+$0x19D80] =	vst v6;
	v6 =	vld [tilespmem:s17+$0x0]  }
.Ltmp3:
0x131: {  	s29 =	smov.u32 s18;
	s18 =	smov.u32 s3;
	v7 =	vld [tilespmem:s17+$0x10];
	[tilespmem:s24+$0x19E00] =	vst v10;
	(pc) =	sbr.rel @p1 .LBB2_9-.Ltmp3, $4  }
0x132: {  	[dreg:$0x7] =	wrdreg s18;
	v9 =	vld [tilespmem:s6+$0xFFFFFC30];
	[tilespmem:s23+$0x1A000] =	vst v8;
	s23 =	smov.u32 s25;
	s25 =	smov.u32 s13  }
0x133: {  	s18 =	smov.u32 s19;
	s16 =	smov.u32 s6;
	s4 =	rddreg [dreg:$0xb];
	v5 =	vld.idx.msk [tilespmem:v62+s7+$0x0], $0xffff;
	[tilespmem:s25+$0x19E00] =	vst v11  }
0x134: {  	s8 =	sand.u32 $0x7, s2;
	s9 =	smov.u32 s22;
	v10 =	vld [tilespmem:s16+$0xFFFFFC20];
	[tilespmem:s20+$0x19D80] =	vst v63;
	s20 =	rddreg [dreg:$0x9]  }
0x135: {  	v3 =	vmov v62;
	s13 =	rddreg [dreg:$0xa];
	s6 =	sadd.s32 $0x20, s6;
	v8 =	vld.idx.msk [tilespmem:v4+s7+$0x0], $0xffff;
	s22 =	smov.u32 s20  }
0x136: {  	_ =	sdelay $0x4  }
0x137: {  	v11 =	vld.idx.msk [tilespmem:v9+s7+$0x0], $0xffff;
	_ =	sdelay $0x3  }
0x138: {  	v12 =	vld.idx.msk [tilespmem:v10+s7+$0x0], $0xffff  }
0x139: {  	s3 =	simm.s32 $0x9C80;
	[tilespmem:s24+$0x17E80] =	vst v11  }
0x13a: {  	v31 =	vld.idx.msk [tilespmem:v9+s3+$0x0], $0xffff;
	_ =	sdelay $0x2  }
0x13b: {  	[tilespmem:s25+$0x17E80] =	vst v12  }
0x13c: {  	v32 =	vld.idx.msk [tilespmem:v10+s3+$0x0], $0xffff  }
0x13d: {  	[tilespmem:s24+$0x19E80] =	vst v31  }
0x13e: {  	v9 =	vld [tilespmem:s16+$0xFFFFFE20];
	_ =	sdelay $0x2  }
0x13f: {  	[tilespmem:s25+$0x19E80] =	vst v32  }
0x140: {  	v10 =	vld [tilespmem:s16+$0xFFFFFE10];
	_ =	sdelay $0x3  }
0x141: {  	v11 =	vld.idx.msk [tilespmem:v9+s7+$0x0], $0xffff;
	_ =	sdelay $0x1  }
0x142: {  	s6 =	rddreg [dreg:$0x6]  }
0x143: {  	s0 =	sor.u32 s6, s11  }
0x144: {  	s0 =	sor.u32 $0x180, s0;
	v12 =	vld.idx.msk [tilespmem:v10+s7+$0x0], $0xffff  }
0x145: {  	[tilespmem:s0+$0x17D80] =	vst v11  }
0x146: {  	v9 =	vld.idx.msk [tilespmem:v9+s3+$0x0], $0xffff;
	_ =	sdelay $0x2  }
0x147: {  	[tilespmem:s9+$0x17D80] =	vst v12  }
0x148: {  	v10 =	vld.idx.msk [tilespmem:v10+s3+$0x0], $0xffff  }
0x149: {  	[tilespmem:s0+$0x19D80] =	vst v9  }
0x14a: {  	v9 =	vld [tilespmem:s16+$0x10];
	_ =	sdelay $0x2  }
0x14b: {  	[tilespmem:s9+$0x19D80] =	vst v10  }
0x14c: {  	v10 =	vld [tilespmem:s16+$0x0];
	_ =	sdelay $0x2  }
0x14d: {  	v33 =	vld.idx.msk [tilespmem:v7+s7+$0x0], $0xffff  }
0x14e: {  	v34 =	vld.idx.msk [tilespmem:v9+s7+$0x0], $0xffff;
	_ =	sdelay $0x1  }
0x14f: {  	v13 =	vld.idx.msk [tilespmem:v6+s7+$0x0], $0xffff;
	_ =	sdelay $0x1  }
0x150: {  	[tilespmem:s21+$0x17F80] =	vst v33;
	v14 =	vld.idx.msk [tilespmem:v10+s7+$0x0], $0xffff  }
0x151: {  	v35 =	vld.idx.msk [tilespmem:v7+s3+$0x0], $0xffff;
	[tilespmem:s24+$0x17F80] =	vst v34  }
0x152: {  	v9 =	vld.idx.msk [tilespmem:v9+s3+$0x0], $0xffff  }
0x153: {  	[tilespmem:s23+$0x17F80] =	vst v13  }
0x154: {  	v36 =	vld.idx.msk [tilespmem:v6+s3+$0x0], $0xffff  }
0x155: {  	[tilespmem:s25+$0x17F80] =	vst v14  }
0x156: {  	[tilespmem:s21+$0x19F80] =	vst v35;
	v10 =	vld.idx.msk [tilespmem:v10+s3+$0x0], $0xffff  }
0x157: {  	v7 =	vld [tilespmem:s17+$0x200];
	[tilespmem:s24+$0x19F80] =	vst v9  }
0x158: {  	v37 =	vld [tilespmem:s16+$0x200]  }
0x159: {  	[tilespmem:s23+$0x19F80] =	vst v36  }
0x15a: {  	v38 =	vld [tilespmem:s17+$0x1F0]  }
0x15b: {  	[tilespmem:s25+$0x19F80] =	vst v10  }
0x15c: {  	v10 =	vld [tilespmem:s16+$0x1F0];
	_ =	sdelay $0x2  }
0x15d: {  	v11 =	vld.idx.msk [tilespmem:v7+s7+$0x0], $0xffff  }
0x15e: {  	v12 =	vld.idx.msk [tilespmem:v37+s7+$0x0], $0xffff;
	_ =	sdelay $0x1  }
0x15f: {  	v13 =	vld.idx.msk [tilespmem:v38+s7+$0x0], $0xffff;
	_ =	sdelay $0x1  }
0x160: {  	[tilespmem:s21+$0x18000] =	vst v11;
	v14 =	vld.idx.msk [tilespmem:v10+s7+$0x0], $0xffff  }
0x161: {  	v7 =	vld.idx.msk [tilespmem:v7+s3+$0x0], $0xffff;
	[tilespmem:s24+$0x18000] =	vst v12  }
0x162: {  	v6 =	vld.idx.msk [tilespmem:v37+s3+$0x0], $0xffff  }
0x163: {  	[tilespmem:s23+$0x18000] =	vst v13  }
0x164: {  	s20 =	sshll.u32 s8, $0x4;
	v9 =	vld.idx.msk [tilespmem:v38+s3+$0x0], $0xffff  }
0x165: {  	v40 =	vld [tilespmem:s31+$0x3E0];
	s0 =	sadd.s32 s28, s20;
	[tilespmem:s25+$0x18000] =	vst v14  }
0x166: {  	s0 =	sadd.s32 $0x10, s0;
	[tilespmem:s21+$0x1A000] =	vst v7;
	v39 =	vld.idx.msk [tilespmem:v10+s3+$0x0], $0xffff  }
0x167: {  	s0 =	sor.u32 $0x300, s0;
	v7 =	vld [tilespmem:s17+$0x3F0];
	[tilespmem:s24+$0x1A000] =	vst v6  }
0x168: {  	[tilespmem:s0+$0x17D80] =	vst v8;
	v41 =	vld [tilespmem:s16+$0x3F0]  }
0x169: {  	v4 =	vld.idx.msk [tilespmem:v4+s3+$0x0], $0xffff;
	[tilespmem:s23+$0x1A000] =	vst v9  }
0x16a: {  	v42 =	vld [tilespmem:s17+$0x3E0]  }
0x16b: {  	[tilespmem:s25+$0x1A000] =	vst v39  }
0x16c: {  	v43 =	vld [tilespmem:s16+$0x3E0];
	_ =	sdelay $0x1  }
0x16d: {  	v44 =	vld.idx.msk [tilespmem:v40+s7+$0x0], $0xffff;
	s24 =	sadd.s32 $0x2, s2  }
0x16e: {  	[tilespmem:s0+$0x19D80] =	vst v4;
	v11 =	vld.idx.msk [tilespmem:v7+s7+$0x0], $0xffff;
	s2 =	sand.u32 $0x7, s24;
	s0 =	sadd.s32 $0x2, s24  }
0x16f: {  	s2 =	sshll.u32 s2, $0x4;
	s0 =	sand.u32 $0x7, s0;
	s20 =	rddreg [dreg:$0x8];
	v45 =	vld.idx.msk [tilespmem:v41+s7+$0x0], $0xffff  }
0x170: {  	s0 =	sshll.u32 s0, $0x4;
	s2 =	sadd.s32 s20, s2  }
0x171: {  	v46 =	vld.idx.msk [tilespmem:v42+s7+$0x0], $0xffff;
	s0 =	sadd.s32 s14, s0;
	s2 =	sadd.s32 $0x10, s2  }
0x172: {  	v4 =	vld [tilespmem:s31+$0x5E0];
	[tilespmem:s29+$0x17D80] =	vst v44;
	s0 =	sadd.s32 $0x10, s0;
	s2 =	sor.u32 $0x300, s2  }
0x173: {  	s0 =	sor.u32 $0x300, s0;
	[tilespmem:s2+$0x17D80] =	vst v11;
	v15 =	vld.idx.msk [tilespmem:v43+s7+$0x0], $0xffff  }
0x174: {  	v7 =	vld.idx.msk [tilespmem:v7+s3+$0x0], $0xffff;
	[tilespmem:s0+$0x17D80] =	vst v45  }
0x175: {  	v6 =	vld.idx.msk [tilespmem:v40+s3+$0x0], $0xffff;
	s5 =	rddreg [dreg:$0x7]  }
0x176: {  	v9 =	vld.idx.msk [tilespmem:v41+s3+$0x0], $0xffff;
	[tilespmem:s5+$0x17D80] =	vst v46  }
0x177: {  	v8 =	vld.idx.msk [tilespmem:v42+s3+$0x0], $0xffff  }
0x178: {  	[tilespmem:s18+$0x17D80] =	vst v15  }
0x179: {  	[tilespmem:s2+$0x19D80] =	vst v7;
	v10 =	vld.idx.msk [tilespmem:v43+s3+$0x0], $0xffff  }
0x17a: {  	v47 =	vld.idx.msk [tilespmem:v4+s7+$0x0], $0xffff;
	[tilespmem:s29+$0x19D80] =	vst v6  }
0x17b: {  	v49 =	vld [tilespmem:s31+$0x5D0];
	[tilespmem:s0+$0x19D80] =	vst v9  }
0x17c: {  	v50 =	vld [tilespmem:s16+$0x5E0];
	[tilespmem:s5+$0x19D80] =	vst v8  }
0x17d: {  	v48 =	vld [tilespmem:s17+$0x5E0];
	s0 =	rddreg [dreg:$0x4]  }
0x17e: {  	v51 =	vld [tilespmem:s17+$0x5D0];
	[tilespmem:s18+$0x19D80] =	vst v10;
	s0 =	sor.u32 s0, s28  }
0x17f: {  	v10 =	vld [tilespmem:s16+$0x5D0];
	s0 =	sor.u32 $0x380, s0  }
0x180: {  	[tilespmem:s0+$0x17D80] =	vst v47  }
0x181: {  	v4 =	vld.idx.msk [tilespmem:v4+s3+$0x0], $0xffff;
	_ =	sdelay $0x1  }
0x182: {  	v12 =	vld.idx.msk [tilespmem:v49+s7+$0x0], $0xffff  }
0x183: {  	v13 =	vld.idx.msk [tilespmem:v50+s7+$0x0], $0xffff  }
0x184: {  	v52 =	vld.idx.msk [tilespmem:v48+s7+$0x0], $0xffff  }
0x185: {  	v53 =	vld.idx.msk [tilespmem:v51+s7+$0x0], $0xffff;
	[tilespmem:s0+$0x19D80] =	vst v4  }
0x186: {  	s1 =	sor.u32 s6, s14;
	v54 =	vld.idx.msk [tilespmem:v10+s7+$0x0], $0xffff;
	s0 =	rddreg [dreg:$0x5];
	[tilespmem:s22+$0x17D80] =	vst v5  }
0x187: {  	s1 =	sor.u32 $0x380, s1;
	[tilespmem:s13+$0x17D80] =	vst v12;
	s0 =	sor.u32 s0, s20;
	v3 =	vld.idx.msk [tilespmem:v3+s3+$0x0], $0xffff  }
0x188: {  	v55 =	vld.idx.msk [tilespmem:v49+s3+$0x0], $0xffff;
	[tilespmem:s1+$0x17D80] =	vst v13;
	s0 =	sor.u32 $0x380, s0  }
0x189: {  	v56 =	vld.idx.msk [tilespmem:v50+s3+$0x0], $0xffff;
	[tilespmem:s0+$0x17D80] =	vst v52  }
0x18a: {  	[tilespmem:s4+$0x17D80] =	vst v53;
	v6 =	vld.idx.msk [tilespmem:v48+s3+$0x0], $0xffff  }
0x18b: {  	v57 =	vld.idx.msk [tilespmem:v51+s3+$0x0], $0xffff;
	[tilespmem:s30+$0x17D80] =	vst v54  }
0x18c: {  	[tilespmem:s22+$0x19D80] =	vst v3;
	v3 =	vld.idx.msk [tilespmem:v10+s3+$0x0], $0xffff  }
0x18d: {  	[tilespmem:s13+$0x19D80] =	vst v55  }
0x18e: {  	[tilespmem:s1+$0x19D80] =	vst v56  }
0x18f: {  	[tilespmem:s0+$0x19D80] =	vst v6  }
0x190: {  	[tilespmem:s4+$0x19D80] =	vst v57  }
0x191: {  	[tilespmem:s30+$0x19D80] =	vst v3  }
0x192: {  	v3 =	vld [tilespmem:$0x13AE0];
	_ =	sdelay $0x7  }
0x193: {  	v4 =	vld.idx.msk [tilespmem:v3+s7+$0x0], $0xffff;
	_ =	sdelay $0x3  }
0x194: {  	v5 =	vld [tilespmem:$0x13CD0]  }
0x195: {  	[tilespmem:$0x189E0] =	vst v4  }
0x196: {  	v3 =	vld.idx.msk [tilespmem:v3+s3+$0x0], $0xffff;
	_ =	sdelay $0x4  }
0x197: {  	[tilespmem:$0x1A9E0] =	vst v3  }
0x198: {  	v3 =	vld.idx.msk [tilespmem:v5+s7+$0x0], $0xffff;
	_ =	sdelay $0x3  }
0x199: {  	v58 =	vld [tilespmem:$0x13EC0]  }
0x19a: {  	[tilespmem:$0x18A60] =	vst v3  }
0x19b: {  	v3 =	vld.idx.msk [tilespmem:v5+s3+$0x0], $0xffff;
	_ =	sdelay $0x4  }
0x19c: {  	[tilespmem:$0x1AA60] =	vst v3  }
0x19d: {  	v3 =	vld.idx.msk [tilespmem:v58+s7+$0x0], $0xffff;
	_ =	sdelay $0x3  }
0x19e: {  	v59 =	vld [tilespmem:$0x140B0]  }
0x19f: {  	[tilespmem:$0x18AE0] =	vst v3  }
0x1a0: {  	v3 =	vld.idx.msk [tilespmem:v58+s3+$0x0], $0xffff;
	_ =	sdelay $0x4  }
0x1a1: {  	[tilespmem:$0x1AAE0] =	vst v3  }
0x1a2: {  	v3 =	vld.idx.msk [tilespmem:v59+s7+$0x0], $0xffff;
	_ =	sdelay $0x3  }
0x1a3: {  	v60 =	vld [tilespmem:$0x142A0]  }
0x1a4: {  	[tilespmem:$0x18B60] =	vst v3  }
0x1a5: {  	v3 =	vld.idx.msk [tilespmem:v59+s3+$0x0], $0xffff;
	_ =	sdelay $0x4  }
0x1a6: {  	[tilespmem:$0x1AB60] =	vst v3  }
0x1a7: {  	v3 =	vld.idx.msk [tilespmem:v60+s7+$0x0], $0xffff;
	_ =	sdelay $0x3  }
0x1a8: {  	v61 =	vld [tilespmem:$0x14490]  }
0x1a9: {  	[tilespmem:$0x18BE0] =	vst v3  }
0x1aa: {  	v3 =	vld.idx.msk [tilespmem:v60+s3+$0x0], $0xffff;
	_ =	sdelay $0x4  }
0x1ab: {  	[tilespmem:$0x1ABE0] =	vst v3  }
0x1ac: {  	v3 =	vld.idx.msk [tilespmem:v61+s7+$0x0], $0xffff;
	_ =	sdelay $0x3  }
0x1ad: {  	v62 =	vld [tilespmem:$0x14680]  }
0x1ae: {  	[tilespmem:$0x18C60] =	vst v3  }
0x1af: {  	v3 =	vld.idx.msk [tilespmem:v61+s3+$0x0], $0xffff;
	_ =	sdelay $0x4  }
0x1b0: {  	[tilespmem:$0x1AC60] =	vst v3  }
0x1b1: {  	v3 =	vld.idx.msk [tilespmem:v62+s7+$0x0], $0xffff;
	_ =	sdelay $0x3  }
0x1b2: {  	v63 =	vld [tilespmem:$0x14870]  }
0x1b3: {  	[tilespmem:$0x18CE0] =	vst v3  }
0x1b4: {  	v3 =	vld.idx.msk [tilespmem:v62+s3+$0x0], $0xffff;
	_ =	sdelay $0x4  }
0x1b5: {  	[tilespmem:$0x1ACE0] =	vst v3  }
0x1b6: {  	v3 =	vld.idx.msk [tilespmem:v63+s7+$0x0], $0xffff;
	_ =	sdelay $0x4  }
0x1b7: {  	[tilespmem:$0x18D60] =	vst v3  }
0x1b8: {  	s15 =	rddreg [dreg:$0x1];
	v3 =	vld.idx.msk [tilespmem:v63+s3+$0x0], $0xffff  }
0x1b9: {  	s3 =	rddreg [dreg:$0x17]  }
0x1ba: {  	s10 =	simm.s32 $0x9C80;
	s30 =	rddreg [dreg:$0x10];
	s25 =	sshll.u32 s3, $0xD  }
0x1bb: {  	s31 =	rddreg [dreg:$0x13];
	p1 =	sne.s32 s3, $0x1A;
	s26 =	sadd.s32 s30, s25  }
.Ltmp4:
0x1bc: {  	s0 =	sadd.s32 s31, s25;
	s1 =	sshrl.u32 s26, $0x3;
	(pc) =	sbr.rel @p1 .LBB2_12-.Ltmp4, $4  }
0x1bd: {  	s28 =	simm.s32 $0x17D80;
	s0 =	sshrl.u32 s0, $0x3;
	s1 =	sadd.s32 s15, s1;
	[tilespmem:$0x1AD60] =	vst v3  }
0x1be: {  	[hbm4b:s1+s7] =	stream.linear.scatter [tilespmem:s28], [sflag:$0x6], $0x1000, $0x38;
	[tilespmem:$0x1F1D8] =	vst v63  }
0x1bf: {  	s29 =	simm.s32 $0x19D80;
	s26 =	simm.s32 $0x0;
	s0 =	sadd.s32 s15, s0  }
0x1c0: {  	[hbm4b:s0+s7] =	stream.linear.scatter [tilespmem:s29], [sflag:$0x8], $0x1000, $0x38;
	[tilespmem:$0x1F1D8] =	vst v63  }
.Ltmp5:
0x1c1: {  	(pc) =	sbr.rel .LBB2_13-.Ltmp5, $4  }
0x1c2: {  	s0 =	simm.s32 $0x5  }
0x1c3: {  	_ =	swait.ge [sflag:s0], $0xF80  }
0x1c4: {  	[sflag:s0] =	ssyncset.done $0x0  }
0x1c5: {  	[sflag:s0] =	ssyncadd.s32 $0xFFFFF080  }
.LBB2_12:
0x1c6: {  	s0 =	smul.u32 $0x7C00, s3;
	_ =	sdelay $0x1  }
0x1c7: {  	s1 =	rddreg [dreg:$0x2];
	s0 =	sshra.s32 s0, $0x2  }
0x1c8: {  	s28 =	simm.s32 $0x13900;
	s0 =	sadd.s32 s0, s1  }
.Ltmp6:
0x1c9: {  	s29 =	simm.s32 $0x5;
	s0 =	sadd.s32 $0x1F00, s0;
	(pc) =	sbr.rel @p0 .LBB2_14-.Ltmp6, $4  }
0x1ca: {  	[tilespmem:s28], [sflag:$0x4] =	stream.linear.gather [spmem:s0], $0xF80, $0x38;
	[tilespmem:$0x1F1D8] =	vst v63  }
0x1cb: {  	_ =	swait.ge [sflag:s29], $0xF80  }
0x1cc: {  	[sflag:s29] =	ssyncset.done $0x0  }
0x1cd: {  	[sflag:s29] =	ssyncadd.s32 $0xFFFFF080  }
.LBB2_13:
0x1ce: {  	s0 =	simm.s32 $0x7  }
0x1cf: {  	_ =	swait.ge [sflag:s0], $0x1000  }
0x1d0: {  	[sflag:s0] =	ssyncset.done $0x0  }
0x1d1: {  	s29 =	simm.s32 $0x9;
	[sflag:s0] =	ssyncadd.s32 $0xFFFFF000  }
0x1d2: {  	_ =	swait.ge [sflag:s29], $0x1000  }
0x1d3: {  	[sflag:s29] =	ssyncset.done $0x0  }
0x1d4: {  	[sflag:s29] =	ssyncadd.s32 $0xFFFFF000  }
.LBB2_14:
0x1d5: {  	s0 =	simm.s32 $0x0  }
0x1d6: {  	s3 =	sand.u32 $0x1E0, s0  }
0x1d7: {  	v3 =	vld [tilespmem:s3+$0x14880];
	_ =	sdelay $0x7  }
0x1d8: {  	v4 =	vld.idx.msk [tilespmem:v3+s26+$0x0], $0xffff;
	_ =	sdelay $0x2  }
0x1d9: {  	s1 =	sand.u32 $0x60, s0;
	s4 =	sand.u32 $0xC00, s0  }
0x1da: {  	s5 =	sor.u32 s1, s4  }
0x1db: {  	[tilespmem:s5+$0x18D80] =	vst v4  }
0x1dc: {  	v3 =	vld.idx.msk [tilespmem:v3+s10+$0x0], $0xffff;
	_ =	sdelay $0x2  }
0x1dd: {  	s2 =	simm.s32 $0x15620  }
0x1de: {  	v4 =	vld [tilespmem:s2+$0xFFFFF270]  }
0x1df: {  	[tilespmem:s5+$0x1AD80] =	vst v3  }
0x1e0: {  	v3 =	vld [tilespmem:s2+$0xFFFFF450];
	_ =	sdelay $0x5  }
0x1e1: {  	v6 =	vld.idx.msk [tilespmem:v4+s26+$0x0], $0xffff;
	_ =	sdelay $0x1  }
0x1e2: {  	v5 =	vld.idx.msk [tilespmem:v3+s26+$0x0], $0xffff;
	_ =	sdelay $0x2  }
0x1e3: {  	s1 =	simm.s32 $0x20;
	[tilespmem:s5+$0x18D90] =	vst v6  }
0x1e4: {  	s7 =	sand.u32 $0x1E0, s1;
	v4 =	vld.idx.msk [tilespmem:v4+s10+$0x0], $0xffff  }
0x1e5: {  	[tilespmem:s5+$0x18E00] =	vst v5;
	v5 =	vld [tilespmem:s7+$0x14880]  }
0x1e6: {  	v3 =	vld.idx.msk [tilespmem:v3+s10+$0x0], $0xffff;
	_ =	sdelay $0x2  }
0x1e7: {  	[tilespmem:s5+$0x1AD90] =	vst v4  }
0x1e8: {  	v4 =	vld [tilespmem:s3+$0x14A80]  }
0x1e9: {  	[tilespmem:s5+$0x1AE00] =	vst v3  }
0x1ea: {  	v3 =	vld [tilespmem:s2+$0xFFFFF640]  }
0x1eb: {  	v8 =	vld.idx.msk [tilespmem:v5+s26+$0x0], $0xffff;
	_ =	sdelay $0x1  }
0x1ec: {  	s3 =	simm.s32 $0x100  }
0x1ed: {  	s8 =	sand.u32 $0x60, s1;
	s6 =	sand.u32 $0xC00, s3  }
0x1ee: {  	s14 =	sor.u32 s8, s6  }
0x1ef: {  	v7 =	vld.idx.msk [tilespmem:v4+s26+$0x0], $0xffff;
	[tilespmem:s14+$0x18D80] =	vst v8  }
0x1f0: {  	v5 =	vld.idx.msk [tilespmem:v5+s10+$0x0], $0xffff  }
0x1f1: {  	v6 =	vld.idx.msk [tilespmem:v3+s26+$0x0], $0xffff;
	_ =	sdelay $0x2  }
0x1f2: {  	[tilespmem:s5+$0x18E10] =	vst v7  }
0x1f3: {  	s11 =	simm.s32 $0x15640;
	v4 =	vld.idx.msk [tilespmem:v4+s10+$0x0], $0xffff;
	[tilespmem:s14+$0x1AD80] =	vst v5  }
0x1f4: {  	[tilespmem:s5+$0x18E80] =	vst v6;
	v5 =	vld [tilespmem:s11+$0xFFFFF450]  }
0x1f5: {  	v3 =	vld.idx.msk [tilespmem:v3+s10+$0x0], $0xffff;
	_ =	sdelay $0x1  }
0x1f6: {  	v6 =	vld [tilespmem:s11+$0xFFFFF270]  }
0x1f7: {  	[tilespmem:s5+$0x1AE10] =	vst v4  }
0x1f8: {  	v4 =	vld [tilespmem:s2+$0xFFFFF650]  }
0x1f9: {  	[tilespmem:s5+$0x1AE80] =	vst v3  }
0x1fa: {  	v3 =	vld [tilespmem:s2+$0xFFFFF830]  }
0x1fb: {  	v9 =	vld.idx.msk [tilespmem:v5+s26+$0x0], $0xffff;
	_ =	sdelay $0x2  }
0x1fc: {  	v10 =	vld.idx.msk [tilespmem:v6+s26+$0x0], $0xffff;
	_ =	sdelay $0x1  }
0x1fd: {  	v8 =	vld.idx.msk [tilespmem:v4+s26+$0x0], $0xffff;
	[tilespmem:s14+$0x18E00] =	vst v9  }
0x1fe: {  	v5 =	vld.idx.msk [tilespmem:v5+s10+$0x0], $0xffff  }
0x1ff: {  	v7 =	vld.idx.msk [tilespmem:v3+s26+$0x0], $0xffff  }
0x200: {  	[tilespmem:s14+$0x18D90] =	vst v10  }
0x201: {  	v6 =	vld.idx.msk [tilespmem:v6+s10+$0x0], $0xffff  }
0x202: {  	s4 =	sor.u32 s4, s0;
	[tilespmem:s5+$0x18E90] =	vst v8  }
0x203: {  	s4 =	sor.u32 $0x180, s4;
	v4 =	vld.idx.msk [tilespmem:v4+s10+$0x0], $0xffff;
	[tilespmem:s14+$0x1AE00] =	vst v5  }
0x204: {  	[tilespmem:s4+$0x18D80] =	vst v7;
	v5 =	vld [tilespmem:s11+$0xFFFFF640]  }
0x205: {  	v3 =	vld.idx.msk [tilespmem:v3+s10+$0x0], $0xffff  }
0x206: {  	[tilespmem:s14+$0x1AD90] =	vst v6  }
0x207: {  	v6 =	vld [tilespmem:s7+$0x14A80]  }
0x208: {  	[tilespmem:s5+$0x1AE90] =	vst v4  }
0x209: {  	v4 =	vld [tilespmem:s2+$0xFFFFF840]  }
0x20a: {  	[tilespmem:s4+$0x1AD80] =	vst v3  }
0x20b: {  	v3 =	vld [tilespmem:s2+$0xFFFFFA20]  }
0x20c: {  	s13 =	simm.s32 $0x40;
	v10 =	vld.idx.msk [tilespmem:v5+s26+$0x0], $0xffff  }
0x20d: {  	s9 =	sand.u32 $0x1E0, s13  }
0x20e: {  	v7 =	vld [tilespmem:s9+$0x14880]  }
0x20f: {  	v11 =	vld.idx.msk [tilespmem:v6+s26+$0x0], $0xffff;
	_ =	sdelay $0x1  }
0x210: {  	v9 =	vld.idx.msk [tilespmem:v4+s26+$0x0], $0xffff;
	[tilespmem:s14+$0x18E80] =	vst v10  }
0x211: {  	v5 =	vld.idx.msk [tilespmem:v5+s10+$0x0], $0xffff  }
0x212: {  	v8 =	vld.idx.msk [tilespmem:v3+s26+$0x0], $0xffff  }
0x213: {  	[tilespmem:s14+$0x18E10] =	vst v11  }
0x214: {  	v6 =	vld.idx.msk [tilespmem:v6+s10+$0x0], $0xffff  }
0x215: {  	v12 =	vld.idx.msk [tilespmem:v7+s26+$0x0], $0xffff;
	[tilespmem:s5+$0x18F10] =	vst v9  }
0x216: {  	v4 =	vld.idx.msk [tilespmem:v4+s10+$0x0], $0xffff;
	[tilespmem:s14+$0x1AE80] =	vst v5  }
0x217: {  	[tilespmem:s5+$0x18F80] =	vst v8;
	v5 =	vld [tilespmem:s11+$0xFFFFF830]  }
0x218: {  	v3 =	vld.idx.msk [tilespmem:v3+s10+$0x0], $0xffff  }
0x219: {  	s8 =	simm.s32 $0x200;
	[tilespmem:s14+$0x1AE10] =	vst v6  }
0x21a: {  	s19 =	sand.u32 $0x60, s13;
	s20 =	sand.u32 $0xC00, s8;
	v6 =	vld [tilespmem:s11+$0xFFFFF650]  }
0x21b: {  	s22 =	sor.u32 s19, s20;
	[tilespmem:s5+$0x1AF10] =	vst v4  }
0x21c: {  	[tilespmem:s22+$0x18D80] =	vst v12;
	v4 =	vld [tilespmem:s2+$0xFFFFFA30]  }
0x21d: {  	v7 =	vld.idx.msk [tilespmem:v7+s10+$0x0], $0xffff;
	[tilespmem:s5+$0x1AF80] =	vst v3  }
0x21e: {  	v3 =	vld [tilespmem:s2+$0xFFFFFC10]  }
0x21f: {  	v11 =	vld.idx.msk [tilespmem:v5+s26+$0x0], $0xffff  }
0x220: {  	s17 =	simm.s32 $0x15660  }
0x221: {  	v8 =	vld [tilespmem:s17+$0xFFFFF270]  }
0x222: {  	s24 =	sor.u32 s6, s1;
	[tilespmem:s22+$0x1AD80] =	vst v7;
	v49 =	vld.idx.msk [tilespmem:v6+s26+$0x0], $0xffff  }
0x223: {  	s4 =	sor.u32 $0x180, s24;
	v7 =	vld [tilespmem:s17+$0xFFFFF450]  }
0x224: {  	v10 =	vld.idx.msk [tilespmem:v4+s26+$0x0], $0xffff;
	[tilespmem:s4+$0x18D80] =	vst v11  }
0x225: {  	v5 =	vld.idx.msk [tilespmem:v5+s10+$0x0], $0xffff  }
0x226: {  	v9 =	vld.idx.msk [tilespmem:v3+s26+$0x0], $0xffff  }
0x227: {  	[tilespmem:s14+$0x18E90] =	vst v49  }
0x228: {  	v6 =	vld.idx.msk [tilespmem:v6+s10+$0x0], $0xffff  }
0x229: {  	[tilespmem:s5+$0x18F90] =	vst v10  }
0x22a: {  	v10 =	vld.idx.msk [tilespmem:v8+s26+$0x0], $0xffff;
	[tilespmem:s4+$0x1AD80] =	vst v5  }
0x22b: {  	[tilespmem:s5+$0x19000] =	vst v9;
	v9 =	vld.idx.msk [tilespmem:v7+s26+$0x0], $0xffff  }
0x22c: {  	v5 =	vld [tilespmem:s11+$0xFFFFFA20]  }
0x22d: {  	[tilespmem:s14+$0x1AE90] =	vst v6;
	v3 =	vld.idx.msk [tilespmem:v3+s10+$0x0], $0xffff  }
0x22e: {  	s19 =	simm.s32 $0x60;
	v6 =	vld [tilespmem:s11+$0xFFFFF840]  }
0x22f: {  	s25 =	sand.u32 $0x1E0, s19;
	v4 =	vld.idx.msk [tilespmem:v4+s10+$0x0], $0xffff  }
0x230: {  	[tilespmem:s22+$0x18D90] =	vst v10;
	v10 =	vld [tilespmem:s25+$0x14880]  }
0x231: {  	v8 =	vld.idx.msk [tilespmem:v8+s10+$0x0], $0xffff;
	[tilespmem:s22+$0x18E00] =	vst v9  }
0x232: {  	[tilespmem:s5+$0x1B000] =	vst v3;
	v7 =	vld.idx.msk [tilespmem:v7+s10+$0x0], $0xffff  }
0x233: {  	v3 =	vld [tilespmem:s2+$0xFFFFFE00]  }
0x234: {  	[tilespmem:s5+$0x1AF90] =	vst v4;
	v50 =	vld.idx.msk [tilespmem:v5+s26+$0x0], $0xffff  }
0x235: {  	v4 =	vld [tilespmem:s2+$0xFFFFFC20]  }
0x236: {  	[tilespmem:s22+$0x1AD90] =	vst v8;
	v13 =	vld.idx.msk [tilespmem:v6+s26+$0x0], $0xffff  }
0x237: {  	v9 =	vld [tilespmem:s9+$0x14A80];
	[tilespmem:s22+$0x1AE00] =	vst v7  }
0x238: {  	v7 =	vld [tilespmem:s17+$0xFFFFF640]  }
0x239: {  	s28 =	simm.s32 $0x9C80;
	[tilespmem:s14+$0x18F80] =	vst v50  }
0x23a: {  	v5 =	vld.idx.msk [tilespmem:v5+s28+$0x0], $0xffff  }
0x23b: {  	[tilespmem:s14+$0x18F10] =	vst v13;
	v8 =	vld.idx.msk [tilespmem:v3+s26+$0x0], $0xffff  }
0x23c: {  	s6 =	sand.u32 $0x3, s0;
	v6 =	vld.idx.msk [tilespmem:v6+s28+$0x0], $0xffff  }
0x23d: {  	s4 =	sshll.u32 s6, $0x5;
	v15 =	vld.idx.msk [tilespmem:v10+s26+$0x0], $0xffff  }
0x23e: {  	s12 =	sadd.s32 $0x0, s4;
	v11 =	vld.idx.msk [tilespmem:v4+s26+$0x0], $0xffff  }
0x23f: {  	s4 =	sor.u32 $0x300, s12;
	v14 =	vld.idx.msk [tilespmem:v9+s26+$0x0], $0xffff;
	[tilespmem:s14+$0x1AF80] =	vst v5  }
0x240: {  	s23 =	simm.s32 $0x300;
	[tilespmem:s4+$0x18D80] =	vst v8;
	v8 =	vld.idx.msk [tilespmem:v7+s26+$0x0], $0xffff  }
0x241: {  	s6 =	sand.u32 $0xC00, s23;
	s9 =	sand.u32 $0x60, s19;
	[tilespmem:s14+$0x1AF10] =	vst v6;
	v5 =	vld [tilespmem:s11+$0xFFFFFC10]  }
0x242: {  	s18 =	sor.u32 s9, s6;
	v6 =	vld [tilespmem:s11+$0xFFFFFA30]  }
0x243: {  	s21 =	simm.s32 $0x15680;
	[tilespmem:s18+$0x18D80] =	vst v15;
	v3 =	vld.idx.msk [tilespmem:v3+s28+$0x0], $0xffff  }
0x244: {  	[tilespmem:s5+$0x19010] =	vst v11;
	v11 =	vld [tilespmem:s21+$0xFFFFF270]  }
0x245: {  	v4 =	vld.idx.msk [tilespmem:v4+s28+$0x0], $0xffff;
	[tilespmem:s22+$0x18E10] =	vst v14  }
0x246: {  	[tilespmem:s22+$0x18E80] =	vst v8;
	v8 =	vld.idx.msk [tilespmem:v9+s28+$0x0], $0xffff  }
0x247: {  	v9 =	vld.idx.msk [tilespmem:v10+s28+$0x0], $0xffff  }
0x248: {  	[tilespmem:s4+$0x1AD80] =	vst v3;
	v7 =	vld.idx.msk [tilespmem:v7+s28+$0x0], $0xffff  }
0x249: {  	v3 =	vld [tilespmem:s2+$0xFFFFFFF0]  }
0x24a: {  	[tilespmem:s5+$0x1B010] =	vst v4;
	v12 =	vld.idx.msk [tilespmem:v5+s26+$0x0], $0xffff  }
0x24b: {  	v4 =	vld.idx.msk [tilespmem:v6+s26+$0x0], $0xffff;
	[tilespmem:s22+$0x1AE10] =	vst v8  }
0x24c: {  	[tilespmem:s18+$0x1AD80] =	vst v9;
	v9 =	vld [tilespmem:s17+$0xFFFFF650]  }
0x24d: {  	v10 =	vld [tilespmem:s21+$0xFFFFF450]  }
0x24e: {  	[tilespmem:s22+$0x1AE80] =	vst v7  }
0x24f: {  	v7 =	vld [tilespmem:s17+$0xFFFFF830];
	[tilespmem:s14+$0x19000] =	vst v12  }
0x250: {  	[tilespmem:s14+$0x18F90] =	vst v4;
	v4 =	vld.idx.msk [tilespmem:v11+s26+$0x0], $0xffff  }
0x251: {  	v5 =	vld.idx.msk [tilespmem:v5+s28+$0x0], $0xffff  }
0x252: {  	v8 =	vld.idx.msk [tilespmem:v3+s26+$0x0], $0xffff  }
0x253: {  	v6 =	vld.idx.msk [tilespmem:v6+s28+$0x0], $0xffff  }
0x254: {  	v14 =	vld.idx.msk [tilespmem:v9+s26+$0x0], $0xffff  }
0x255: {  	s0 =	sor.u32 s0, s0;
	[tilespmem:s18+$0x18D90] =	vst v4;
	v15 =	vld.idx.msk [tilespmem:v10+s26+$0x0], $0xffff  }
0x256: {  	s9 =	sor.u32 $0x380, s0;
	v4 =	vld.idx.msk [tilespmem:v11+s28+$0x0], $0xffff  }
0x257: {  	[tilespmem:s9+$0x18D80] =	vst v8;
	v8 =	vld [tilespmem:s2+$0xFFFFFE10]  }
0x258: {  	[tilespmem:s14+$0x1B000] =	vst v5;
	v51 =	vld.idx.msk [tilespmem:v7+s26+$0x0], $0xffff  }
0x259: {  	[tilespmem:s14+$0x1AF90] =	vst v6;
	v5 =	vld [tilespmem:s11+$0xFFFFFE00]  }
0x25a: {  	v6 =	vld [tilespmem:s11+$0xFFFFFC20]  }
0x25b: {  	[tilespmem:s22+$0x18E90] =	vst v14  }
0x25c: {  	s16 =	sor.u32 s20, s13;
	[tilespmem:s18+$0x18E00] =	vst v15;
	v9 =	vld.idx.msk [tilespmem:v9+s28+$0x0], $0xffff  }
0x25d: {  	s0 =	sor.u32 $0x180, s16;
	[tilespmem:s18+$0x1AD90] =	vst v4;
	v10 =	vld.idx.msk [tilespmem:v10+s28+$0x0], $0xffff  }
0x25e: {  	[tilespmem:s0+$0x18D80] =	vst v51;
	v11 =	vld [tilespmem:s25+$0x14A80]  }
0x25f: {  	v7 =	vld.idx.msk [tilespmem:v7+s28+$0x0], $0xffff  }
0x260: {  	v52 =	vld.idx.msk [tilespmem:v8+s26+$0x0], $0xffff  }
0x261: {  	v4 =	vld.idx.msk [tilespmem:v5+s26+$0x0], $0xffff  }
0x262: {  	s24 =	simm.s32 $0x1;
	v54 =	vld.idx.msk [tilespmem:v6+s26+$0x0], $0xffff;
	[tilespmem:s22+$0x1AE90] =	vst v9  }
0x263: {  	s25 =	sand.u32 $0x3, s24;
	[tilespmem:s18+$0x1AE00] =	vst v10;
	v9 =	vld [tilespmem:s17+$0xFFFFF840]  }
0x264: {  	s7 =	sadd.s32 $0x10, s12;
	s16 =	simm.s32 $0x80;
	s5 =	sshll.u32 s25, $0x5;
	[tilespmem:s0+$0x1AD80] =	vst v7;
	v10 =	vld [tilespmem:s21+$0xFFFFF640]  }
0x265: {  	s20 =	sor.u32 $0x300, s7;
	s10 =	sadd.s32 $0x100, s5;
	s0 =	sand.u32 $0x1E0, s16;
	v7 =	vld [tilespmem:s17+$0xFFFFFA20]  }
0x266: {  	s5 =	sor.u32 $0x300, s10;
	v53 =	vld [tilespmem:s0+$0x14880];
	[tilespmem:s20+$0x18D80] =	vst v52  }
0x267: {  	[tilespmem:s5+$0x18D80] =	vst v4;
	v8 =	vld.idx.msk [tilespmem:v8+s28+$0x0], $0xffff  }
0x268: {  	v4 =	vld.idx.msk [tilespmem:v5+s28+$0x0], $0xffff  }
0x269: {  	v5 =	vld.idx.msk [tilespmem:v11+s26+$0x0], $0xffff  }
0x26a: {  	v3 =	vld.idx.msk [tilespmem:v3+s28+$0x0], $0xffff  }
0x26b: {  	v56 =	vld.idx.msk [tilespmem:v9+s26+$0x0], $0xffff  }
0x26c: {  	[tilespmem:s14+$0x19010] =	vst v54;
	v16 =	vld.idx.msk [tilespmem:v10+s26+$0x0], $0xffff  }
0x26d: {  	[tilespmem:s20+$0x1AD80] =	vst v8;
	v55 =	vld.idx.msk [tilespmem:v7+s26+$0x0], $0xffff  }
0x26e: {  	[tilespmem:s18+$0x18E10] =	vst v5;
	v5 =	vld.idx.msk [tilespmem:v6+s28+$0x0], $0xffff  }
0x26f: {  	v8 =	vld [tilespmem:s2+$0x0]  }
0x270: {  	[tilespmem:s5+$0x1AD80] =	vst v4;
	v17 =	vld.idx.msk [tilespmem:v53+s26+$0x0], $0xffff  }
0x271: {  	v4 =	vld [tilespmem:s11+$0xFFFFFFF0];
	[tilespmem:s22+$0x18F10] =	vst v56  }
0x272: {  	[tilespmem:s22+$0x18F80] =	vst v55;
	v9 =	vld.idx.msk [tilespmem:v9+s28+$0x0], $0xffff  }
0x273: {  	s20 =	simm.s32 $0x400;
	v7 =	vld.idx.msk [tilespmem:v7+s28+$0x0], $0xffff  }
0x274: {  	s5 =	sand.u32 $0x60, s16;
	s2 =	sand.u32 $0xC00, s20;
	v6 =	vld.idx.msk [tilespmem:v11+s28+$0x0], $0xffff;
	[tilespmem:s18+$0x18E80] =	vst v16  }
0x275: {  	s25 =	sor.u32 s5, s2;
	s5 =	simm.s32 $0x156A0;
	v10 =	vld.idx.msk [tilespmem:v10+s28+$0x0], $0xffff  }
0x276: {  	v59 =	vld [tilespmem:s5+$0xFFFFF270];
	[tilespmem:s25+$0x18D80] =	vst v17  }
0x277: {  	v11 =	vld.idx.msk [tilespmem:v53+s28+$0x0], $0xffff;
	[tilespmem:s22+$0x1AF10] =	vst v9  }
0x278: {  	[tilespmem:s22+$0x1AF80] =	vst v7;
	v9 =	vld [tilespmem:s17+$0xFFFFFA30]  }
0x279: {  	[tilespmem:s18+$0x1AE10] =	vst v6;
	v7 =	vld [tilespmem:s17+$0xFFFFFC10]  }
0x27a: {  	v6 =	vld.idx.msk [tilespmem:v4+s26+$0x0], $0xffff;
	[tilespmem:s18+$0x1AE80] =	vst v10  }
0x27b: {  	v57 =	vld [tilespmem:s21+$0xFFFFF830]  }
0x27c: {  	[tilespmem:s25+$0x1AD80] =	vst v11;
	v11 =	vld [tilespmem:s21+$0xFFFFF650]  }
0x27d: {  	s1 =	sor.u32 s3, s1;
	v58 =	vld [tilespmem:s5+$0xFFFFF450]  }
0x27e: {  	s4 =	sor.u32 $0x380, s1;
	[tilespmem:s14+$0x1B010] =	vst v5;
	v10 =	vld.idx.msk [tilespmem:v8+s26+$0x0], $0xffff  }
0x27f: {  	[tilespmem:s4+$0x18D80] =	vst v6;
	v6 =	vld [tilespmem:s11+$0xFFFFFE10]  }
0x280: {  	v5 =	vld.idx.msk [tilespmem:v9+s26+$0x0], $0xffff  }
0x281: {  	v60 =	vld.idx.msk [tilespmem:v7+s26+$0x0], $0xffff  }
0x282: {  	v61 =	vld.idx.msk [tilespmem:v4+s28+$0x0], $0xffff  }
0x283: {  	v4 =	vld.idx.msk [tilespmem:v57+s26+$0x0], $0xffff  }
0x284: {  	v62 =	vld.idx.msk [tilespmem:v11+s26+$0x0], $0xffff  }
0x285: {  	v63 =	vld.idx.msk [tilespmem:v58+s26+$0x0], $0xffff;
	[tilespmem:s22+$0x18F90] =	vst v5  }
0x286: {  	v5 =	vld.idx.msk [tilespmem:v59+s26+$0x0], $0xffff;
	[tilespmem:s22+$0x19000] =	vst v60  }
0x287: {  	s6 =	sor.u32 s6, s19;
	v7 =	vld.idx.msk [tilespmem:v7+s28+$0x0], $0xffff  }
0x288: {  	s12 =	sor.u32 $0x180, s6;
	[tilespmem:s9+$0x1AD80] =	vst v3;
	v3 =	vld.idx.msk [tilespmem:v9+s28+$0x0], $0xffff  }
0x289: {  	[tilespmem:s12+$0x18D80] =	vst v4;
	v9 =	vld.idx.msk [tilespmem:v6+s26+$0x0], $0xffff  }
0x28a: {  	[tilespmem:s18+$0x18E90] =	vst v62;
	v12 =	vld.idx.msk [tilespmem:v57+s28+$0x0], $0xffff  }
0x28b: {  	[tilespmem:s25+$0x18E00] =	vst v63;
	v11 =	vld.idx.msk [tilespmem:v11+s28+$0x0], $0xffff  }
0x28c: {  	v13 =	vld.idx.msk [tilespmem:v58+s28+$0x0], $0xffff;
	[tilespmem:s22+$0x1B000] =	vst v7  }
0x28d: {  	s14 =	sadd.s32 $0x10, s10;
	s10 =	simm.s32 $0x9C80;
	[tilespmem:s25+$0x18D90] =	vst v5;
	v5 =	vld [tilespmem:s17+$0xFFFFFE00]  }
0x28e: {  	s1 =	sor.u32 $0x300, s14;
	v14 =	vld.idx.msk [tilespmem:v59+s10+$0x0], $0xffff;
	[tilespmem:s22+$0x1AF90] =	vst v3  }
0x28f: {  	[tilespmem:s1+$0x18D80] =	vst v9;
	v4 =	vld [tilespmem:s17+$0xFFFFFC20]  }
0x290: {  	[tilespmem:s12+$0x1AD80] =	vst v12;
	v6 =	vld.idx.msk [tilespmem:v6+s10+$0x0], $0xffff  }
0x291: {  	[tilespmem:s18+$0x1AE90] =	vst v11;
	v7 =	vld [tilespmem:s21+$0xFFFFFA20]  }
0x292: {  	s28 =	sor.u32 $0x380, s7;
	[tilespmem:s25+$0x1AE00] =	vst v13;
	v9 =	vld [tilespmem:s21+$0xFFFFF840]  }
0x293: {  	[tilespmem:s28+$0x18D80] =	vst v10;
	v10 =	vld [tilespmem:s5+$0xFFFFF640]  }
0x294: {  	s29 =	simm.s32 $0x400;
	[tilespmem:s4+$0x1AD80] =	vst v61;
	v3 =	vld.idx.msk [tilespmem:v8+s10+$0x0], $0xffff  }
0x295: {  	s3 =	simm.s32 $0x8;
	s6 =	simm.s32 $0xA0;
	s14 =	sor.u32 $0x380, s14;
	[tilespmem:s25+$0x1AD90] =	vst v14;
	v8 =	vld.idx.msk [tilespmem:v5+s26+$0x0], $0xffff  }
.LBB2_15:
0x296: {  	v11 =	vld [tilespmem:s0+$0x14A80];
	s0 =	sand.u32 $0x1E0, s6;
	[tilespmem:s1+$0x1AD80] =	vst v6;
	s24 =	sadd.s32 $0x1, s24  }
0x297: {  	v6 =	vld [tilespmem:s0+$0x14880];
	s1 =	sand.u32 $0x3, s24  }
0x298: {  	s3 =	sadd.s32 $0x2, s3;
	s1 =	sshll.u32 s1, $0x5;
	v12 =	vld.idx.msk [tilespmem:v4+s26+$0x0], $0xffff  }
0x299: {  	p0 =	slt.u32 s3, $0x1C;
	v13 =	vld.idx.msk [tilespmem:v7+s26+$0x0], $0xffff;
	s1 =	sadd.s32 s1, s8  }
0x29a: {  	v14 =	vld.idx.msk [tilespmem:v9+s26+$0x0], $0xffff;
	s4 =	sor.u32 $0x300, s1;
	s7 =	sadd.s32 $0x10, s1;
	[tilespmem:s28+$0x1AD80] =	vst v3;
	s28 =	smov.u32 s14  }
0x29b: {  	v15 =	vld.idx.msk [tilespmem:v10+s26+$0x0], $0xffff;
	[tilespmem:s4+$0x18D80] =	vst v8;
	s1 =	sor.u32 $0x300, s7;
	s14 =	sor.u32 $0x380, s7  }
0x29c: {  	v5 =	vld.idx.msk [tilespmem:v5+s10+$0x0], $0xffff  }
0x29d: {  	v3 =	vld [tilespmem:s11+$0x0];
	s11 =	smov.u32 s17;
	s17 =	smov.u32 s21;
	s21 =	smov.u32 s5  }
0x29e: {  	v8 =	vld.idx.msk [tilespmem:v11+s26+$0x0], $0xffff;
	[tilespmem:s22+$0x19010] =	vst v12  }
0x29f: {  	v12 =	vld.idx.msk [tilespmem:v6+s26+$0x0], $0xffff;
	[tilespmem:s18+$0x18F80] =	vst v13  }
0x2a0: {  	v7 =	vld.idx.msk [tilespmem:v7+s10+$0x0], $0xffff;
	[tilespmem:s18+$0x18F10] =	vst v14  }
0x2a1: {  	[tilespmem:s25+$0x18E80] =	vst v15;
	v9 =	vld.idx.msk [tilespmem:v9+s10+$0x0], $0xffff  }
0x2a2: {  	s20 =	sadd.s32 $0x100, s20;
	v10 =	vld.idx.msk [tilespmem:v10+s10+$0x0], $0xffff;
	[tilespmem:s4+$0x1AD80] =	vst v5  }
0x2a3: {  	s7 =	sand.u32 $0xC00, s20;
	s4 =	sand.u32 $0x60, s6;
	v5 =	vld [tilespmem:s11+$0xFFFFFFF0]  }
0x2a4: {  	s4 =	sor.u32 s4, s7;
	[tilespmem:s25+$0x18E10] =	vst v8;
	v4 =	vld.idx.msk [tilespmem:v4+s10+$0x0], $0xffff  }
0x2a5: {  	[tilespmem:s4+$0x18D80] =	vst v12;
	v8 =	vld.idx.msk [tilespmem:v11+s10+$0x0], $0xffff  }
0x2a6: {  	v6 =	vld.idx.msk [tilespmem:v6+s10+$0x0], $0xffff;
	[tilespmem:s18+$0x1AF80] =	vst v7  }
0x2a7: {  	v7 =	vld [tilespmem:s17+$0xFFFFFC10];
	[tilespmem:s18+$0x1AF10] =	vst v9  }
0x2a8: {  	v9 =	vld [tilespmem:s17+$0xFFFFFA30]  }
0x2a9: {  	[tilespmem:s25+$0x1AE80] =	vst v10;
	v10 =	vld.idx.msk [tilespmem:v3+s26+$0x0], $0xffff  }
0x2aa: {  	v11 =	vld [tilespmem:s5+$0xFFFFF830];
	[tilespmem:s22+$0x1B010] =	vst v4;
	s22 =	smov.u32 s18;
	s18 =	smov.u32 s25;
	s25 =	smov.u32 s4  }
0x2ab: {  	[tilespmem:s18+$0x1AE10] =	vst v8;
	v4 =	vld.idx.msk [tilespmem:v5+s26+$0x0], $0xffff  }
0x2ac: {  	s5 =	sadd.s32 $0x20, s5;
	[tilespmem:s25+$0x1AD80] =	vst v6;
	v6 =	vld [tilespmem:s21+$0xFFFFF650]  }
0x2ad: {  	v8 =	vld [tilespmem:s5+$0xFFFFF450]  }
0x2ae: {  	v12 =	vld [tilespmem:s5+$0xFFFFF270]  }
0x2af: {  	s4 =	sor.u32 s8, s13;
	s8 =	smov.u32 s23;
	s23 =	smov.u32 s29;
	v13 =	vld.idx.msk [tilespmem:v7+s26+$0x0], $0xffff;
	[tilespmem:s28+$0x18D80] =	vst v10  }
0x2b0: {  	s29 =	smov.u32 s20;
	s13 =	smov.u32 s19;
	s4 =	sor.u32 $0x380, s4;
	v10 =	vld.idx.msk [tilespmem:v9+s26+$0x0], $0xffff  }
0x2b1: {  	s19 =	smov.u32 s16;
	s16 =	smov.u32 s6;
	[tilespmem:s4+$0x18D80] =	vst v4;
	v14 =	vld [tilespmem:s11+$0xFFFFFE10]  }
0x2b2: {  	v4 =	vld.idx.msk [tilespmem:v5+s10+$0x0], $0xffff  }
0x2b3: {  	v5 =	vld.idx.msk [tilespmem:v11+s26+$0x0], $0xffff  }
0x2b4: {  	v15 =	vld.idx.msk [tilespmem:v6+s26+$0x0], $0xffff  }
0x2b5: {  	v16 =	vld.idx.msk [tilespmem:v8+s26+$0x0], $0xffff;
	[tilespmem:s22+$0x19000] =	vst v13  }
0x2b6: {  	v7 =	vld.idx.msk [tilespmem:v7+s10+$0x0], $0xffff;
	[tilespmem:s22+$0x18F90] =	vst v10  }
0x2b7: {  	s9 =	sor.u32 s2, s19;
	s2 =	smov.u32 s7;
	v10 =	vld.idx.msk [tilespmem:v12+s26+$0x0], $0xffff  }
0x2b8: {  	s7 =	sor.u32 $0x180, s9;
	v9 =	vld.idx.msk [tilespmem:v9+s10+$0x0], $0xffff;
	[tilespmem:s4+$0x1AD80] =	vst v4  }
0x2b9: {  	[tilespmem:s7+$0x18D80] =	vst v5;
	v13 =	vld.idx.msk [tilespmem:v14+s26+$0x0], $0xffff  }
0x2ba: {  	v11 =	vld.idx.msk [tilespmem:v11+s10+$0x0], $0xffff;
	[tilespmem:s18+$0x18E90] =	vst v15  }
0x2bb: {  	[tilespmem:s25+$0x18E00] =	vst v16;
	v15 =	vld.idx.msk [tilespmem:v6+s10+$0x0], $0xffff  }
0x2bc: {  	v8 =	vld.idx.msk [tilespmem:v8+s10+$0x0], $0xffff;
	[tilespmem:s22+$0x1B000] =	vst v7  }
0x2bd: {  	[tilespmem:s25+$0x18D90] =	vst v10;
	v5 =	vld [tilespmem:s17+$0xFFFFFE00]  }
0x2be: {  	v12 =	vld.idx.msk [tilespmem:v12+s10+$0x0], $0xffff;
	[tilespmem:s22+$0x1AF90] =	vst v9  }
0x2bf: {  	v4 =	vld [tilespmem:s17+$0xFFFFFC20];
	[tilespmem:s1+$0x18D80] =	vst v13  }
0x2c0: {  	[tilespmem:s7+$0x1AD80] =	vst v11;
	v6 =	vld.idx.msk [tilespmem:v14+s10+$0x0], $0xffff  }
.Ltmp7:
0x2c1: {  	v7 =	vld [tilespmem:s21+$0xFFFFFA20];
	[tilespmem:s18+$0x1AE90] =	vst v15;
	(pc) =	sbr.rel @p0 .LBB2_15-.Ltmp7, $4  }
0x2c2: {  	[tilespmem:s25+$0x1AE00] =	vst v8;
	v9 =	vld [tilespmem:s21+$0xFFFFF840]  }
0x2c3: {  	v10 =	vld [tilespmem:s5+$0xFFFFF640]  }
0x2c4: {  	[tilespmem:s25+$0x1AD90] =	vst v12;
	v3 =	vld.idx.msk [tilespmem:v3+s10+$0x0], $0xffff  }
0x2c5: {  	s6 =	sadd.s32 $0x20, s6;
	v8 =	vld.idx.msk [tilespmem:v5+s26+$0x0], $0xffff  }
0x2c6: {  	v11 =	vld [tilespmem:s0+$0x14A80];
	_ =	sdelay $0x7  }
0x2c7: {  	v12 =	vld.idx.msk [tilespmem:v11+s26+$0x0], $0xffff;
	_ =	sdelay $0x4  }
0x2c8: {  	[tilespmem:s25+$0x18E10] =	vst v12  }
0x2c9: {  	v11 =	vld.idx.msk [tilespmem:v11+s10+$0x0], $0xffff;
	_ =	sdelay $0x4  }
0x2ca: {  	[tilespmem:s25+$0x1AE10] =	vst v11  }
0x2cb: {  	v11 =	vld [tilespmem:s5+$0xFFFFF650];
	_ =	sdelay $0x5  }
0x2cc: {  	v27 =	vld.idx.msk [tilespmem:v10+s26+$0x0], $0xffff;
	_ =	sdelay $0x1  }
0x2cd: {  	v13 =	vld.idx.msk [tilespmem:v11+s26+$0x0], $0xffff;
	_ =	sdelay $0x2  }
0x2ce: {  	[tilespmem:s25+$0x18E80] =	vst v27  }
0x2cf: {  	v28 =	vld.idx.msk [tilespmem:v10+s10+$0x0], $0xffff  }
0x2d0: {  	[tilespmem:s25+$0x18E90] =	vst v13  }
0x2d1: {  	v11 =	vld.idx.msk [tilespmem:v11+s10+$0x0], $0xffff;
	_ =	sdelay $0x2  }
0x2d2: {  	[tilespmem:s25+$0x1AE80] =	vst v28  }
0x2d3: {  	v10 =	vld [tilespmem:s5+$0xFFFFF830]  }
0x2d4: {  	[tilespmem:s25+$0x1AE90] =	vst v11  }
0x2d5: {  	v11 =	vld [tilespmem:s5+$0xFFFFF840];
	_ =	sdelay $0x3  }
0x2d6: {  	v29 =	vld.idx.msk [tilespmem:v9+s26+$0x0], $0xffff;
	_ =	sdelay $0x1  }
0x2d7: {  	v12 =	vld.idx.msk [tilespmem:v10+s26+$0x0], $0xffff;
	_ =	sdelay $0x1  }
0x2d8: {  	v14 =	vld.idx.msk [tilespmem:v11+s26+$0x0], $0xffff  }
0x2d9: {  	s6 =	sor.u32 s2, s16;
	[tilespmem:s18+$0x18F10] =	vst v29  }
0x2da: {  	s0 =	sor.u32 $0x180, s6;
	v30 =	vld.idx.msk [tilespmem:v9+s10+$0x0], $0xffff  }
0x2db: {  	[tilespmem:s0+$0x18D80] =	vst v12  }
0x2dc: {  	v10 =	vld.idx.msk [tilespmem:v10+s10+$0x0], $0xffff  }
0x2dd: {  	[tilespmem:s25+$0x18F10] =	vst v14  }
0x2de: {  	v11 =	vld.idx.msk [tilespmem:v11+s10+$0x0], $0xffff  }
0x2df: {  	[tilespmem:s18+$0x1AF10] =	vst v30  }
0x2e0: {  	v32 =	vld [tilespmem:s21+$0xFFFFFA30]  }
0x2e1: {  	[tilespmem:s0+$0x1AD80] =	vst v10  }
0x2e2: {  	v31 =	vld [tilespmem:s5+$0xFFFFFA20]  }
0x2e3: {  	[tilespmem:s25+$0x1AF10] =	vst v11  }
0x2e4: {  	v11 =	vld [tilespmem:s5+$0xFFFFFA30];
	_ =	sdelay $0x2  }
0x2e5: {  	v33 =	vld.idx.msk [tilespmem:v7+s26+$0x0], $0xffff  }
0x2e6: {  	v35 =	vld.idx.msk [tilespmem:v32+s26+$0x0], $0xffff;
	_ =	sdelay $0x1  }
0x2e7: {  	v34 =	vld.idx.msk [tilespmem:v31+s26+$0x0], $0xffff;
	_ =	sdelay $0x1  }
0x2e8: {  	[tilespmem:s18+$0x18F80] =	vst v33;
	v15 =	vld.idx.msk [tilespmem:v11+s26+$0x0], $0xffff  }
0x2e9: {  	v36 =	vld.idx.msk [tilespmem:v7+s10+$0x0], $0xffff;
	[tilespmem:s18+$0x18F90] =	vst v35  }
0x2ea: {  	v10 =	vld.idx.msk [tilespmem:v32+s10+$0x0], $0xffff  }
0x2eb: {  	[tilespmem:s25+$0x18F80] =	vst v34  }
0x2ec: {  	v9 =	vld.idx.msk [tilespmem:v31+s10+$0x0], $0xffff  }
0x2ed: {  	[tilespmem:s25+$0x18F90] =	vst v15  }
0x2ee: {  	[tilespmem:s18+$0x1AF80] =	vst v36;
	v11 =	vld.idx.msk [tilespmem:v11+s10+$0x0], $0xffff  }
0x2ef: {  	v7 =	vld [tilespmem:s21+$0xFFFFFC10];
	[tilespmem:s18+$0x1AF90] =	vst v10  }
0x2f0: {  	v10 =	vld [tilespmem:s21+$0xFFFFFC20]  }
0x2f1: {  	[tilespmem:s25+$0x1AF80] =	vst v9  }
0x2f2: {  	v9 =	vld [tilespmem:s5+$0xFFFFFC10]  }
0x2f3: {  	[tilespmem:s25+$0x1AF90] =	vst v11  }
0x2f4: {  	v11 =	vld [tilespmem:s5+$0xFFFFFC20];
	_ =	sdelay $0x2  }
0x2f5: {  	v12 =	vld.idx.msk [tilespmem:v7+s26+$0x0], $0xffff  }
0x2f6: {  	v39 =	vld.idx.msk [tilespmem:v10+s26+$0x0], $0xffff  }
0x2f7: {  	v37 =	vld.idx.msk [tilespmem:v4+s26+$0x0], $0xffff  }
0x2f8: {  	v38 =	vld.idx.msk [tilespmem:v9+s26+$0x0], $0xffff  }
0x2f9: {  	s7 =	sadd.s32 $0x1, s24  }
0x2fa: {  	s9 =	sand.u32 $0x3, s7;
	[tilespmem:s18+$0x19000] =	vst v12;
	v16 =	vld.idx.msk [tilespmem:v11+s26+$0x0], $0xffff  }
0x2fb: {  	s2 =	sshll.u32 s9, $0x5;
	v7 =	vld.idx.msk [tilespmem:v7+s10+$0x0], $0xffff;
	[tilespmem:s18+$0x19010] =	vst v39  }
0x2fc: {  	s2 =	sadd.s32 s2, s8;
	[tilespmem:s22+$0x19010] =	vst v37;
	v10 =	vld.idx.msk [tilespmem:v10+s10+$0x0], $0xffff  }
0x2fd: {  	s3 =	sor.u32 $0x300, s2;
	v40 =	vld.idx.msk [tilespmem:v4+s10+$0x0], $0xffff;
	[tilespmem:s25+$0x19000] =	vst v38  }
0x2fe: {  	[tilespmem:s3+$0x18D80] =	vst v8;
	v9 =	vld.idx.msk [tilespmem:v9+s10+$0x0], $0xffff  }
0x2ff: {  	v5 =	vld.idx.msk [tilespmem:v5+s10+$0x0], $0xffff;
	[tilespmem:s25+$0x19010] =	vst v16  }
0x300: {  	[tilespmem:s18+$0x1B000] =	vst v7;
	v41 =	vld.idx.msk [tilespmem:v11+s10+$0x0], $0xffff  }
0x301: {  	v42 =	vld [tilespmem:s21+$0xFFFFFE00];
	[tilespmem:s18+$0x1B010] =	vst v10  }
0x302: {  	v10 =	vld [tilespmem:s21+$0xFFFFFE10]  }
0x303: {  	[tilespmem:s25+$0x1B000] =	vst v9  }
0x304: {  	[tilespmem:s22+$0x1B010] =	vst v40;
	v9 =	vld [tilespmem:s5+$0xFFFFFE00]  }
0x305: {  	v43 =	vld [tilespmem:s17+$0xFFFFFE10];
	[tilespmem:s25+$0x1B010] =	vst v41  }
0x306: {  	v8 =	vld [tilespmem:s5+$0xFFFFFE10]  }
0x307: {  	[tilespmem:s3+$0x1AD80] =	vst v5  }
0x308: {  	v5 =	vld [tilespmem:s17+$0xFFFFFFF0]  }
0x309: {  	s0 =	sadd.s32 $0x1, s7;
	v44 =	vld.idx.msk [tilespmem:v42+s26+$0x0], $0xffff  }
0x30a: {  	s12 =	sand.u32 $0x3, s0;
	v47 =	vld.idx.msk [tilespmem:v10+s26+$0x0], $0xffff  }
0x30b: {  	s3 =	sshll.u32 s12, $0x5  }
0x30c: {  	s0 =	sadd.s32 $0x1, s0;
	s3 =	sadd.s32 s3, s23;
	v46 =	vld.idx.msk [tilespmem:v9+s26+$0x0], $0xffff  }
0x30d: {  	v45 =	vld.idx.msk [tilespmem:v43+s26+$0x0], $0xffff;
	s0 =	sand.u32 $0x3, s0;
	s20 =	sor.u32 $0x300, s3;
	s3 =	sadd.s32 $0x10, s3  }
0x30e: {  	s0 =	sshll.u32 s0, $0x5;
	s7 =	sor.u32 $0x300, s3;
	[tilespmem:s20+$0x18D80] =	vst v44;
	v48 =	vld.idx.msk [tilespmem:v8+s26+$0x0], $0xffff  }
0x30f: {  	s0 =	sadd.s32 s0, s29;
	v4 =	vld.idx.msk [tilespmem:v42+s10+$0x0], $0xffff;
	[tilespmem:s7+$0x18D80] =	vst v47  }
0x310: {  	[tilespmem:s1+$0x1AD80] =	vst v6;
	s6 =	sor.u32 $0x300, s0;
	s18 =	sadd.s32 $0x10, s2;
	v10 =	vld.idx.msk [tilespmem:v10+s10+$0x0], $0xffff  }
0x311: {  	v50 =	vld.idx.msk [tilespmem:v5+s26+$0x0], $0xffff;
	s0 =	sadd.s32 $0x10, s0;
	s4 =	sor.u32 $0x300, s18;
	[tilespmem:s6+$0x18D80] =	vst v46  }
0x312: {  	s9 =	sor.u32 $0x300, s0;
	[tilespmem:s4+$0x18D80] =	vst v45;
	v9 =	vld.idx.msk [tilespmem:v9+s10+$0x0], $0xffff  }
0x313: {  	v7 =	vld.idx.msk [tilespmem:v43+s10+$0x0], $0xffff;
	[tilespmem:s9+$0x18D80] =	vst v48  }
0x314: {  	[tilespmem:s20+$0x1AD80] =	vst v4;
	v6 =	vld.idx.msk [tilespmem:v8+s10+$0x0], $0xffff  }
0x315: {  	v51 =	vld [tilespmem:s21+$0xFFFFFFF0];
	[tilespmem:s7+$0x1AD80] =	vst v10  }
0x316: {  	v10 =	vld [tilespmem:s21+$0x0]  }
0x317: {  	v49 =	vld [tilespmem:s11+$0x0];
	[tilespmem:s6+$0x1AD80] =	vst v9  }
0x318: {  	[tilespmem:s4+$0x1AD80] =	vst v7;
	v9 =	vld [tilespmem:s5+$0xFFFFFFF0]  }
0x319: {  	s22 =	sor.u32 s8, s13;
	v52 =	vld [tilespmem:s17+$0x0];
	[tilespmem:s9+$0x1AD80] =	vst v6  }
0x31a: {  	s2 =	sor.u32 $0x380, s22;
	v6 =	vld [tilespmem:s5+$0x0]  }
0x31b: {  	[tilespmem:s2+$0x18D80] =	vst v50  }
0x31c: {  	v4 =	vld.idx.msk [tilespmem:v5+s10+$0x0], $0xffff  }
0x31d: {  	v54 =	vld.idx.msk [tilespmem:v51+s26+$0x0], $0xffff  }
0x31e: {  	v56 =	vld.idx.msk [tilespmem:v10+s26+$0x0], $0xffff  }
0x31f: {  	v53 =	vld.idx.msk [tilespmem:v49+s26+$0x0], $0xffff  }
0x320: {  	s24 =	sor.u32 s23, s19;
	[tilespmem:s28+$0x1AD80] =	vst v3;
	v3 =	vld.idx.msk [tilespmem:v9+s26+$0x0], $0xffff  }
0x321: {  	[tilespmem:s2+$0x1AD80] =	vst v4;
	s2 =	sor.u32 $0x380, s24;
	v55 =	vld.idx.msk [tilespmem:v52+s26+$0x0], $0xffff  }
0x322: {  	s3 =	sor.u32 $0x380, s3;
	[tilespmem:s2+$0x18D80] =	vst v54;
	v57 =	vld.idx.msk [tilespmem:v6+s26+$0x0], $0xffff  }
0x323: {  	v7 =	vld.idx.msk [tilespmem:v51+s10+$0x0], $0xffff;
	[tilespmem:s3+$0x18D80] =	vst v56;
	s25 =	sor.u32 s29, s16  }
0x324: {  	[tilespmem:s14+$0x18D80] =	vst v53;
	v4 =	vld.idx.msk [tilespmem:v10+s10+$0x0], $0xffff;
	s4 =	sor.u32 $0x380, s25  }
0x325: {  	s1 =	sor.u32 $0x380, s18;
	v11 =	vld.idx.msk [tilespmem:v49+s10+$0x0], $0xffff;
	[tilespmem:s4+$0x18D80] =	vst v3  }
0x326: {  	s0 =	sor.u32 $0x380, s0;
	[tilespmem:s1+$0x18D80] =	vst v55;
	v3 =	vld.idx.msk [tilespmem:v9+s10+$0x0], $0xffff  }
0x327: {  	v8 =	vld.idx.msk [tilespmem:v52+s10+$0x0], $0xffff;
	[tilespmem:s0+$0x18D80] =	vst v57  }
0x328: {  	[tilespmem:s2+$0x1AD80] =	vst v7;
	v5 =	vld.idx.msk [tilespmem:v6+s10+$0x0], $0xffff  }
0x329: {  	[tilespmem:s3+$0x1AD80] =	vst v4  }
0x32a: {  	[tilespmem:s14+$0x1AD80] =	vst v11  }
0x32b: {  	[tilespmem:s4+$0x1AD80] =	vst v3  }
0x32c: {  	[tilespmem:s1+$0x1AD80] =	vst v8  }
0x32d: {  	[tilespmem:s0+$0x1AD80] =	vst v5  }
0x32e: {  	v3 =	vld [tilespmem:$0x14A60];
	_ =	sdelay $0x7  }
0x32f: {  	v4 =	vld.idx.msk [tilespmem:v3+s26+$0x0], $0xffff;
	_ =	sdelay $0x3  }
0x330: {  	v5 =	vld [tilespmem:$0x14C50]  }
0x331: {  	[tilespmem:$0x199E0] =	vst v4  }
0x332: {  	v3 =	vld.idx.msk [tilespmem:v3+s10+$0x0], $0xffff;
	_ =	sdelay $0x4  }
0x333: {  	[tilespmem:$0x1B9E0] =	vst v3  }
0x334: {  	v3 =	vld.idx.msk [tilespmem:v5+s26+$0x0], $0xffff;
	_ =	sdelay $0x3  }
0x335: {  	v58 =	vld [tilespmem:$0x14E40]  }
0x336: {  	[tilespmem:$0x19A60] =	vst v3  }
0x337: {  	v3 =	vld.idx.msk [tilespmem:v5+s10+$0x0], $0xffff;
	_ =	sdelay $0x4  }
0x338: {  	[tilespmem:$0x1BA60] =	vst v3  }
0x339: {  	v3 =	vld.idx.msk [tilespmem:v58+s26+$0x0], $0xffff;
	_ =	sdelay $0x3  }
0x33a: {  	v59 =	vld [tilespmem:$0x15030]  }
0x33b: {  	[tilespmem:$0x19AE0] =	vst v3  }
0x33c: {  	v3 =	vld.idx.msk [tilespmem:v58+s10+$0x0], $0xffff;
	_ =	sdelay $0x4  }
0x33d: {  	[tilespmem:$0x1BAE0] =	vst v3  }
0x33e: {  	v3 =	vld.idx.msk [tilespmem:v59+s26+$0x0], $0xffff;
	_ =	sdelay $0x3  }
0x33f: {  	v60 =	vld [tilespmem:$0x15220]  }
0x340: {  	[tilespmem:$0x19B60] =	vst v3  }
0x341: {  	v3 =	vld.idx.msk [tilespmem:v59+s10+$0x0], $0xffff;
	_ =	sdelay $0x4  }
0x342: {  	[tilespmem:$0x1BB60] =	vst v3  }
0x343: {  	v3 =	vld.idx.msk [tilespmem:v60+s26+$0x0], $0xffff;
	_ =	sdelay $0x3  }
0x344: {  	v61 =	vld [tilespmem:$0x15410]  }
0x345: {  	[tilespmem:$0x19BE0] =	vst v3  }
0x346: {  	v3 =	vld.idx.msk [tilespmem:v60+s10+$0x0], $0xffff;
	_ =	sdelay $0x4  }
0x347: {  	[tilespmem:$0x1BBE0] =	vst v3  }
0x348: {  	v3 =	vld.idx.msk [tilespmem:v61+s26+$0x0], $0xffff;
	_ =	sdelay $0x3  }
0x349: {  	v62 =	vld [tilespmem:$0x15600]  }
0x34a: {  	[tilespmem:$0x19C60] =	vst v3  }
0x34b: {  	v3 =	vld.idx.msk [tilespmem:v61+s10+$0x0], $0xffff;
	_ =	sdelay $0x4  }
0x34c: {  	[tilespmem:$0x1BC60] =	vst v3  }
0x34d: {  	v3 =	vld.idx.msk [tilespmem:v62+s26+$0x0], $0xffff;
	_ =	sdelay $0x3  }
0x34e: {  	v63 =	vld [tilespmem:$0x157F0]  }
0x34f: {  	[tilespmem:$0x19CE0] =	vst v3  }
0x350: {  	v3 =	vld.idx.msk [tilespmem:v62+s10+$0x0], $0xffff;
	_ =	sdelay $0x4  }
0x351: {  	[tilespmem:$0x1BCE0] =	vst v3  }
0x352: {  	v3 =	vld.idx.msk [tilespmem:v63+s26+$0x0], $0xffff;
	_ =	sdelay $0x4  }
0x353: {  	s0 =	rddreg [dreg:$0x18];
	[tilespmem:$0x19D60] =	vst v3  }
0x354: {  	s0 =	sshll.u32 s0, $0xC;
	v3 =	vld.idx.msk [tilespmem:v63+s10+$0x0], $0xffff  }
0x355: {  	s28 =	sadd.s32 s30, s0;
	s0 =	sadd.s32 s31, s0;
	s31 =	rddreg [dreg:$0x17]  }
0x356: {  	s2 =	sadd.s32 $0x1, s31  }
0x357: {  	p0 =	sne.s32 s2, $0x1B  }
.Ltmp8:
0x358: {  	s1 =	sshrl.u32 s28, $0x3;
	(pc) =	sbr.rel @p0 .LBB2_8-.Ltmp8, $4  }
0x359: {  	s29 =	simm.s32 $0x18D80;
	s0 =	sshrl.u32 s0, $0x3;
	s1 =	sadd.s32 s15, s1;
	[tilespmem:$0x1BD60] =	vst v3  }
0x35a: {  	[hbm4b:s1+s26] =	stream.linear.scatter [tilespmem:s29], [sflag:$0x7], $0x1000, $0x38;
	[tilespmem:$0x1F1D8] =	vst v63  }
0x35b: {  	s30 =	simm.s32 $0x1AD80;
	s0 =	sadd.s32 s15, s0  }
0x35c: {  	[hbm4b:s0+s26] =	stream.linear.scatter [tilespmem:s30], [sflag:$0x9], $0x1000, $0x38;
	[tilespmem:$0x1F1D8] =	vst v63  }
0x35d: {  	s0 =	simm.s32 $0x6  }
0x35e: {  	_ =	swait.ge [sflag:s0], $0x1000  }
0x35f: {  	[sflag:s0] =	ssyncset.done $0x0  }
0x360: {  	s29 =	simm.s32 $0x8;
	[sflag:s0] =	ssyncadd.s32 $0xFFFFF000  }
0x361: {  	_ =	swait.ge [sflag:s29], $0x1000  }
0x362: {  	[sflag:s29] =	ssyncset.done $0x0  }
0x363: {  	s30 =	simm.s32 $0x7;
	[sflag:s29] =	ssyncadd.s32 $0xFFFFF000  }
0x364: {  	_ =	swait.ge [sflag:s30], $0x1000  }
0x365: {  	[sflag:s30] =	ssyncset.done $0x0  }
0x366: {  	s1 =	simm.s32 $0x9;
	[sflag:s30] =	ssyncadd.s32 $0xFFFFF000  }
0x367: {  	_ =	swait.ge [sflag:s1], $0x1000  }
0x368: {  	s2 =	rddreg [dreg:$0x16]  }
0x369: {  	s31 =	rddreg [dreg:$0x14];
	s2 =	sadd.s32 $0x1, s2  }
0x36a: {  	p0 =	sne.s32 s2, s31  }
.Ltmp9:
0x36b: {  	_ = 	snop;
	(pc) =	sbr.rel @p0 .LBB2_1-.Ltmp9, $3  }
0x36c: {  	_ =	sdelay $0x1  }
0x36d: {  	[sflag:s1] =	ssyncset.done $0x0  }
0x36e: {  	s4 =	simm.s32 $0x15800;
	[sflag:s1] =	ssyncadd.s32 $0xFFFFF000  }
0x36f: {  	_ =	sfence.sel $0x180000  }
0x370: {  	[bflag:$0x0] =	sbarrier.arrive $0xFFFF  }
0x371: {  	_ =	strace $0x90000047  }
0x372: {  	s0 =	stileid.u32;
	[bflag:$0x2] =	sbarrier.arrive $0xFFFF  }
0x373: {  	p0 =	sne.s32 s0, $0x0;
	s0 =	rddreg [dreg:$0x3]  }
0x374: {  	s0 =	sadd.s32 @!p0 $0x100000, s0  }
0x375: {  	[sflag:s0] =	ssyncadd.tile.s32 @!p0 $0x1;
	_ =	shalt  }
.Lfunc_end2:
_tile_overlayer_lowered:
.L_overlay_start_2:
0x376: {  	(tag) =	ssettag $0x2  }
0x377: {  	s0 =	rddreg [dreg:$0x0];
	s2 =	stileid.u32  }
0x378: {  	s1 =	rddreg [dreg:$0x1];
	p0 =	sne.s32 s2, $0x0  }
0x379: {  	s3 =	rddreg [dreg:$0x2];
	[bflag:$0x3] =	sbarrier.arrive $0xFFFF;
	s2 =	simm.s32 @!p0 $0x1C0A  }
0x37a: {  	[timem:s3], [sflag:s2] =	dma.local @!p0 [hbm:s0], s1  }
0x37b: {  	s0 =	simm.s32 @!p0 $0xA  }
0x37c: {  	_ =	swait.ge @!p0 [sflag:s0], s1  }
0x37d: {  	s1 =	ssub.s32 @!p0 $0x0, s1;
	[sflag:s0] =	ssyncset.done @!p0 $0x0  }
0x37e: {  	[sflag:s0] =	ssyncadd.s32 @!p0 s1  }
0x37f: {  	[bflag:$0x3] =	sbarrier.arrive $0xFFFF  }
0x380: {  	_ =	shalt  }

</sc_bundles>
